<compile_context>
chip_gen: v7x
topology: tpu7x:2x2x1
jax: 0.10.2.dev20260603
libtpu: 0.0.44.dev20260713+nightly
codegen_flags: <defaults>
</compile_context>

<pallas_src>
import functools

import jax
import jax.numpy as jnp
import numpy as np
from jax import lax
from jax.experimental import pallas as pl
from jax.experimental.pallas import tpu as pltpu
from jax.experimental.pallas import tpu_sc as plsc

N = 10000
E = 320000
D = 128
ED = 16
C = 128

NC = 2
NS = 16
NW = NC * NS
EPW = E // NW
GB = 200
SB = 80
INIT_ROWS = 1000

BE = 3200
INV_SQRT_C = 1.0 / float(np.sqrt(C))
BN_EPS = 1e-5


def _sig(z):
    return 1.0 / (1.0 + jnp.exp(-z))


def _node_tables_body(x_ref, wq, bq, wk, bk, wv, bv, wku1, wm1,
                      q_o, ka_o, kb_o, va_o, vb_o):
    xb = x_ref[...]
    q = jnp.dot(xb, wq[...], preferred_element_type=jnp.float32) + bq[...]
    k = jnp.dot(xb, wk[...], preferred_element_type=jnp.float32) + bk[...]
    v = jnp.dot(xb, wv[...], preferred_element_type=jnp.float32) + bv[...]
    q_o[...] = q
    ka_o[...] = jnp.dot(k, wku1[0:C, :], preferred_element_type=jnp.float32)
    kb_o[...] = jnp.dot(k, wku1[C:2 * C, :], preferred_element_type=jnp.float32)
    va_o[...] = jnp.dot(v, wm1[0:C, :], preferred_element_type=jnp.float32)
    vb_o[...] = jnp.dot(v, wm1[C:2 * C, :], preferred_element_type=jnp.float32)


def _node_tables(x, p):
    Bn = 2000
    full = lambda shape: pl.BlockSpec(shape, lambda i: (0,) * len(shape))
    return pl.pallas_call(
        _node_tables_body,
        grid=(N // Bn,),
        in_specs=[
            pl.BlockSpec((Bn, D), lambda i: (i, 0)),
            full((D, C)), full((1, C)),
            full((D, C)), full((1, C)),
            full((D, C)), full((1, C)),
            full((3 * C, C)), full((3 * C, C)),
        ],
        out_specs=[pl.BlockSpec((Bn, C), lambda i: (i, 0))] * 5,
        out_shape=[jax.ShapeDtypeStruct((N, C), jnp.float32)] * 5,
    )(x, p['Wq'], p['bq'].reshape(1, C), p['Wk'], p['bk'].reshape(1, C),
      p['Wv'], p['bv'].reshape(1, C), p['Wku1'], p['Wm1'])


def _gather_k_body(dst_h, src_h, q_h, ka_h, kb_h, gq_h, ghk_h,
                   di0, si0, bq0, bhk0, qsem0, ksem0, osem0,
                   di1, si1, bq1, bhk1, qsem1, ksem1, osem1):
    wid = lax.axis_index("s") * NC + lax.axis_index("c")
    base = wid * EPW
    nch = EPW // GB
    sets = ((di0, si0, bq0, bhk0, qsem0, ksem0, osem0),
            (di1, si1, bq1, bhk1, qsem1, ksem1, osem1))

    def stage1(j, st):
        di, si, bq, bhk, qsem, ksem, osem = st
        off = base + j * GB

        @pl.when(j >= 2)
        def _():
            pltpu.make_async_copy(bq, gq_h.at[pl.ds(off, GB)], osem).wait()
            pltpu.make_async_copy(bhk, ghk_h.at[pl.ds(off, GB)], osem).wait()

        pltpu.sync_copy(dst_h.at[pl.ds(off, GB)], di)
        pltpu.sync_copy(src_h.at[pl.ds(off, GB)], si)
        pltpu.async_copy(q_h.at[di], bq, qsem)
        pltpu.async_copy(ka_h.at[di], bhk, ksem)

    def finish(c, s):
        di, si, bq, bhk, qsem, ksem, osem = sets[s]
        off = base + c * GB
        pltpu.make_async_copy(ka_h.at[pl.ds(0, GB)], bhk, ksem).wait()
        kb_cp = pltpu.async_copy(kb_h.at[si], bhk, ksem, add=True)

        @pl.when(c + 1 < nch)
        def _():
            stage1(c + 1, sets[1 - s])

        pltpu.make_async_copy(q_h.at[pl.ds(0, GB)], bq, qsem).wait()
        pltpu.async_copy(bq, gq_h.at[pl.ds(off, GB)], osem)
        kb_cp.wait()
        pltpu.async_copy(bhk, ghk_h.at[pl.ds(off, GB)], osem)

    stage1(0, sets[0])

    def pair(p, carry):
        finish(2 * p, 0)
        finish(2 * p + 1, 1)
        return carry

    lax.fori_loop(0, nch // 2, pair, 0)
    for s in (0, 1):
        di, si, bq, bhk, qsem, ksem, osem = sets[s]
        pltpu.make_async_copy(bq, gq_h.at[pl.ds(base, GB)], osem).wait()
        pltpu.make_async_copy(bhk, ghk_h.at[pl.ds(base, GB)], osem).wait()


def _gather_m_body(dst_h, src_h, va_h, vb_h, ghm_h,
                   di0, si0, bhm0, gsem0, osem0,
                   di1, si1, bhm1, gsem1, osem1):
    wid = lax.axis_index("s") * NC + lax.axis_index("c")
    base = wid * EPW
    nch = EPW // GB
    sets = ((di0, si0, bhm0, gsem0, osem0),
            (di1, si1, bhm1, gsem1, osem1))

    def stage1(j, st):
        di, si, bhm, gsem, osem = st
        off = base + j * GB

        @pl.when(j >= 2)
        def _():
            pltpu.make_async_copy(bhm, ghm_h.at[pl.ds(off, GB)], osem).wait()

        pltpu.sync_copy(dst_h.at[pl.ds(off, GB)], di)
        pltpu.sync_copy(src_h.at[pl.ds(off, GB)], si)
        pltpu.async_copy(va_h.at[di], bhm, gsem)

    def finish(c, s):
        di, si, bhm, gsem, osem = sets[s]
        off = base + c * GB
        pltpu.make_async_copy(va_h.at[pl.ds(0, GB)], bhm, gsem).wait()
        vb_cp = pltpu.async_copy(vb_h.at[si], bhm, gsem, add=True)

        @pl.when(c + 1 < nch)
        def _():
            stage1(c + 1, sets[1 - s])

        vb_cp.wait()
        pltpu.async_copy(bhm, ghm_h.at[pl.ds(off, GB)], osem)

    stage1(0, sets[0])

    def pair(p, carry):
        finish(2 * p, 0)
        finish(2 * p + 1, 1)
        return carry

    lax.fori_loop(0, nch // 2, pair, 0)
    for s in (0, 1):
        di, si, bhm, gsem, osem = sets[s]
        pltpu.make_async_copy(bhm, ghm_h.at[pl.ds(base, GB)], osem).wait()


def _sc_gather_k(dst, src, q, ka, kb):
    mesh = plsc.VectorSubcoreMesh(core_axis_name="c", subcore_axis_name="s",
                                  num_cores=NC, num_subcores=NS)
    set_scratch = [
        pltpu.VMEM((GB,), jnp.int32),
        pltpu.VMEM((GB,), jnp.int32),
        pltpu.VMEM((GB, C), jnp.float32),
        pltpu.VMEM((GB, C), jnp.float32),
        pltpu.SemaphoreType.DMA,
        pltpu.SemaphoreType.DMA,
        pltpu.SemaphoreType.DMA,
    ]
    fn = pl.kernel(
        _gather_k_body,
        out_type=[jax.ShapeDtypeStruct((E, C), jnp.float32)] * 2,
        mesh=mesh,
        scratch_types=set_scratch + set_scratch,
    )
    return fn(dst, src, q, ka, kb)


def _sc_gather_m(dst, src, va, vb):
    mesh = plsc.VectorSubcoreMesh(core_axis_name="c", subcore_axis_name="s",
                                  num_cores=NC, num_subcores=NS)
    set_scratch = [
        pltpu.VMEM((GB,), jnp.int32),
        pltpu.VMEM((GB,), jnp.int32),
        pltpu.VMEM((GB, C), jnp.float32),
        pltpu.SemaphoreType.DMA,
        pltpu.SemaphoreType.DMA,
    ]
    fn = pl.kernel(
        _gather_m_body,
        out_type=jax.ShapeDtypeStruct((E, C), jnp.float32),
        mesh=mesh,
        scratch_types=set_scratch + set_scratch,
    )
    return fn(dst, src, va, vb)


def _pass1_body(ghk, gq, eat, wek, ck, wku2, bku2, alpha_o, stats_o):
    i = pl.program_id(0)

    eak = lax.dot_general(eat[...], wek[...], (((0,), (0,)), ((), ())),
                          preferred_element_type=jnp.float32)
    h = ghk[...] + eak + ck[...]
    h = h * _sig(h)
    kj = jnp.dot(h, wku2[...], preferred_element_type=jnp.float32) + bku2[...]
    alpha = gq[...] * kj * INV_SQRT_C
    alpha_o[...] = alpha.astype(jnp.bfloat16)

    @pl.when(i == 0)
    def _():
        stats_o[...] = jnp.zeros_like(stats_o)

    s1 = jnp.sum(alpha, axis=0, keepdims=True)
    s2 = jnp.sum(alpha * alpha, axis=0, keepdims=True)
    stats_o[0:1, :] += s1
    stats_o[1:2, :] += s2


def _pass1(ghk, gq, eat, wek, ck, wku2, bku2):
    full = lambda shape: pl.BlockSpec(shape, lambda i: (0,) * len(shape))
    return pl.pallas_call(
        _pass1_body,
        grid=(E // BE,),
        in_specs=[
            pl.BlockSpec((BE, C), lambda i: (i, 0)),
            pl.BlockSpec((BE, C), lambda i: (i, 0)),
            pl.BlockSpec((ED, BE), lambda i: (0, i)),
            full((ED, C)), full((1, C)), full((C, C)), full((1, C)),
        ],
        out_specs=[pl.BlockSpec((BE, C), lambda i: (i, 0)),
                   pl.BlockSpec((8, C), lambda i: (0, 0))],
        out_shape=[jax.ShapeDtypeStruct((E, C), jnp.bfloat16),
                   jax.ShapeDtypeStruct((8, C), jnp.float32)],
    )(ghk, gq, eat, wek, ck, wku2, bku2)


def _pass2_body(alpha, ghm, eat, stats, gatt, batt, wem, cm, wm2, bm2,
                gmsg_o):
    mu = stats[0:1, :] * (1.0 / E)
    ex2 = stats[1:2, :] * (1.0 / E)
    var = ex2 - mu * mu
    inv = gatt[...] * lax.rsqrt(var + BN_EPS)
    shift = batt[...] - mu * inv
    gate = _sig(alpha[...].astype(jnp.float32) * inv + shift)

    eam = lax.dot_general(eat[...], wem[...], (((0,), (0,)), ((), ())),
                          preferred_element_type=jnp.float32)
    h = ghm[...] + eam + cm[...]
    h = h * _sig(h)
    msg = jnp.dot(h, wm2[...], preferred_element_type=jnp.float32) + bm2[...]
    gmsg_o[...] = msg * gate


def _pass2(alpha, ghm, eat, stats, gatt, batt, wem, cm, wm2, bm2):
    full = lambda shape: pl.BlockSpec(shape, lambda i: (0,) * len(shape))
    return pl.pallas_call(
        _pass2_body,
        grid=(E // BE,),
        in_specs=[
            pl.BlockSpec((BE, C), lambda i: (i, 0)),
            pl.BlockSpec((BE, C), lambda i: (i, 0)),
            pl.BlockSpec((ED, BE), lambda i: (0, i)),
            full((8, C)), full((1, C)), full((1, C)),
            full((ED, C)), full((1, C)), full((C, C)), full((1, C)),
        ],
        out_specs=pl.BlockSpec((BE, C), lambda i: (i, 0)),
        out_shape=jax.ShapeDtypeStruct((E, C), jnp.float32),
    )(alpha, ghm, eat, stats, gatt, batt, wem, cm, wm2, bm2)


def _sc_scatter_body(dst_h, gmsg_h, zeros_h, parts_h,
                     idx0, dat0, lsem0, ssem0,
                     idx1, dat1, lsem1, ssem1, acc):
    cid = lax.axis_index("c")
    sid = lax.axis_index("s")
    wid = sid * NC + cid
    base = wid * EPW
    nch = EPW // SB
    r0 = sid * INIT_ROWS
    sets = ((idx0, dat0, lsem0, ssem0), (idx1, dat1, lsem1, ssem1))

    @pl.when(sid < N // INIT_ROWS)
    def _():
        pltpu.sync_copy(zeros_h.at[pl.ds(r0, INIT_ROWS)],
                        acc.at[pl.ds(r0, INIT_ROWS)])
    plsc.subcore_barrier()

    def stage1(j, st):
        idxb, datab, lsem, ssem = st

        @pl.when(j >= 2)
        def _():
            pltpu.make_async_copy(datab, acc.at[pl.ds(0, SB)], ssem).wait()

        off = base + j * SB
        pltpu.async_copy(dst_h.at[pl.ds(off, SB)], idxb, lsem)
        pltpu.async_copy(gmsg_h.at[pl.ds(off, SB)], datab, lsem)

    def finish(c, s):
        idxb, datab, lsem, ssem = sets[s]
        pltpu.make_async_copy(dst_h.at[pl.ds(0, SB)], idxb, lsem).wait()
        pltpu.make_async_copy(gmsg_h.at[pl.ds(0, SB)], datab, lsem).wait()
        pltpu.async_copy(datab, acc.at[idxb], ssem, add=True)

        @pl.when(c + 1 < nch)
        def _():
            stage1(c + 1, sets[1 - s])

    stage1(0, sets[0])

    def pair(p, carry):
        finish(2 * p, 0)
        finish(2 * p + 1, 1)
        return carry

    lax.fori_loop(0, nch // 2, pair, 0)
    if nch % 2:
        finish(nch - 1, (nch - 1) % 2)
    for s in (0, 1):
        idxb, datab, lsem, ssem = sets[s]
        pltpu.make_async_copy(datab, acc.at[pl.ds(0, SB)], ssem).wait()
    plsc.subcore_barrier()

    @pl.when(sid < N // INIT_ROWS)
    def _():
        pltpu.sync_copy(acc.at[pl.ds(r0, INIT_ROWS)],
                        parts_h.at[cid, pl.ds(r0, INIT_ROWS)])


def _sc_scatter(dst, gmsg, zeros):
    mesh = plsc.VectorSubcoreMesh(core_axis_name="c", subcore_axis_name="s",
                                  num_cores=NC, num_subcores=NS)
    set_scratch = [
        pltpu.VMEM((SB,), jnp.int32),
        pltpu.VMEM((SB, C), jnp.float32),
        pltpu.SemaphoreType.DMA,
        pltpu.SemaphoreType.DMA,
    ]
    fn = pl.kernel(
        _sc_scatter_body,
        out_type=jax.ShapeDtypeStruct((NC, N, C), jnp.float32),
        mesh=mesh,
        scratch_types=set_scratch + set_scratch + [
            pltpu.VMEM_SHARED((N, C), jnp.float32),
        ],
    )
    return fn(dst, gmsg, zeros)


def _final_body(parts, x_ref, wc, bc, gbn, bbn, out_o):
    agg = parts[0] + parts[1]
    o = jnp.dot(agg, wc[...], preferred_element_type=jnp.float32) + bc[...]
    mu = jnp.sum(o, axis=0, keepdims=True) * (1.0 / N)
    ex2 = jnp.sum(o * o, axis=0, keepdims=True) * (1.0 / N)
    var = ex2 - mu * mu
    inv = gbn[...] * lax.rsqrt(var + BN_EPS)
    z = x_ref[...] + o * inv + (bbn[...] - mu * inv)
    out_o[...] = jnp.maximum(z, 0.0) + jnp.log(1.0 + jnp.exp(-jnp.abs(z)))


def _final(parts, x, wc, bc, gbn, bbn):
    return pl.pallas_call(
        _final_body,
        out_shape=jax.ShapeDtypeStruct((N, C), jnp.float32),
    )(parts, x, wc, bc.reshape(1, C), gbn.reshape(1, C), bbn.reshape(1, C))


def kernel(x, edge_index, edge_attr, params):
    p = params
    ei = edge_index.astype(jnp.int32)
    src = ei[0]
    dst = ei[1]

    wek = p['We'] @ p['Wku1'][2 * C:]
    ck = (p['bku1'] + p['be'] @ p['Wku1'][2 * C:]).reshape(1, C)
    wem = p['We'] @ p['Wm1'][2 * C:]
    cm = (p['bm1'] + p['be'] @ p['Wm1'][2 * C:]).reshape(1, C)

    eat = edge_attr.T
    q, ka, kb, va, vb = _node_tables(x, p)
    gq, ghk = _sc_gather_k(dst, src, q, ka, kb)
    ghm = _sc_gather_m(dst, src, va, vb)
    alpha, stats = _pass1(ghk, gq, eat, wek, ck, p['Wku2'],
                          p['bku2'].reshape(1, C))
    gmsg = _pass2(alpha, ghm, eat, stats,
                  p['g_att'].reshape(1, C), p['b_att'].reshape(1, C),
                  wem, cm, p['Wm2'], p['bm2'].reshape(1, C))
    zeros = jnp.zeros((N, C), jnp.float32)
    parts = _sc_scatter(dst, gmsg, zeros)
    return _final(parts, x, p['Wc'], p['bc'], p['g_bn'], p['b_bn'])

# --- scband reference (transcript-rebuilt; emitter-appended) ---
"""Pipeline reference for scband-i-com-former-18726057411383 (READ-ONLY COPY).

The authoritative reference and input builder live on the scoring server;
editing this copy changes nothing except your own understanding.
"""

import jax, jax.numpy as jnp
import numpy as np

N = 10000
E = 320000
D = 128
ED = 16
H = 1
C = 128


def _bn(z, gamma, beta, eps=1e-5):
    mu = z.mean(axis=0)
    var = z.var(axis=0)
    return (z - mu) / jnp.sqrt(var + eps) * gamma + beta


def _lin_init(k, fi, fo):
    s = 1.0 / np.sqrt(fi)
    k1, k2 = jax.random.split(k)
    W = jax.random.uniform(k1, (fi, fo), minval=-s, maxval=s, dtype=jnp.float32)
    b = jax.random.uniform(k2, (fo,), minval=-s, maxval=s, dtype=jnp.float32)
    return W, b


def setup_inputs(seed: int = 0) -> dict:
    key = jax.random.key(seed)
    ks = jax.random.split(key, 16)
    x = jax.random.normal(ks[0], (N, D), dtype=jnp.float32)
    edge_index = jax.random.randint(ks[1], (2, E), 0, N, dtype=jnp.int64)
    edge_attr = jax.random.normal(ks[2], (E, ED), dtype=jnp.float32)
    p = {}
    p['Wq'], p['bq'] = _lin_init(ks[3], D, H * C)
    p['Wk'], p['bk'] = _lin_init(ks[4], D, H * C)
    p['Wv'], p['bv'] = _lin_init(ks[5], D, H * C)
    p['We'], p['be'] = _lin_init(ks[6], ED, H * C)
    p['Wc'], p['bc'] = _lin_init(ks[7], H * C, C)
    p['Wm1'], p['bm1'] = _lin_init(ks[8], 3 * C, C)
    p['Wm2'], p['bm2'] = _lin_init(ks[9], C, C)
    p['Wku1'], p['bku1'] = _lin_init(ks[10], 3 * C, C)
    p['Wku2'], p['bku2'] = _lin_init(ks[11], C, C)
    p['g_att'] = jnp.ones((C,), dtype=jnp.float32)
    p['b_att'] = jnp.zeros((C,), dtype=jnp.float32)
    p['g_bn'] = jnp.ones((C,), dtype=jnp.float32)
    p['b_bn'] = jnp.zeros((C,), dtype=jnp.float32)
    return {'x': x, 'edge_index': edge_index, 'edge_attr': edge_attr, 'params': p}


def _mlp(z, W1, b1, W2, b2):
    h = z @ W1 + b1
    h = h * jax.nn.sigmoid(h)  # SiLU
    return h @ W2 + b2


def reference(x, edge_index, edge_attr, params):
    p = params
    q = (x @ p['Wq'] + p['bq']).reshape(-1, H, C)
    k = (x @ p['Wk'] + p['bk']).reshape(-1, H, C)
    v = (x @ p['Wv'] + p['bv']).reshape(-1, H, C)
    src = edge_index[0]  # j
    dst = edge_index[1]  # i
    q_i = jnp.take(q, dst, axis=0)
    k_i = jnp.take(k, dst, axis=0)
    k_j = jnp.take(k, src, axis=0)
    v_i = jnp.take(v, dst, axis=0)
    v_j = jnp.take(v, src, axis=0)
    ea = (edge_attr @ p['We'] + p['be']).reshape(-1, H, C)
    kj = _mlp(jnp.concatenate([k_i, k_j, ea], axis=-1), p['Wku1'], p['bku1'], p['Wku2'], p['bku2'])
    alpha = q_i * kj / np.sqrt(C)
    msg = _mlp(jnp.concatenate([v_i, v_j, ea], axis=-1), p['Wm1'], p['bm1'], p['Wm2'], p['bm2'])
    gate = jax.nn.sigmoid(_bn(alpha.reshape(-1, C), p['g_att'], p['b_att']).reshape(-1, H, C))
    msg = msg * gate
    agg = jnp.zeros((x.shape[0], H, C), dtype=msg.dtype).at[dst].add(msg)
    out = agg.reshape(-1, H * C) @ p['Wc'] + p['bc']
    out = _bn(out, p['g_bn'], p['b_bn'])
    return jax.nn.softplus(x + out)

if __name__ == "__main__":
    import jax
    _d = setup_inputs()
    print(jax.jit(kernel)(*tuple(_d.values())))

</pallas_src>

<mosaic_0001>
#map = affine_map<(d0, d1) -> (0)>
#map1 = affine_map<(d0, d1) -> (0, 0)>
#map2 = affine_map<(d0, d1) -> (0, 0, 0)>
module attributes {stable_mosaic.version = 14 : i64} {
  func.func @_sc_scatter_body(%arg0: i32, %arg1: i32, %arg2: memref<320000xi32, #tpu.memory_space<hbm>>, %arg3: memref<320000x128xf32, #tpu.memory_space<hbm>>, %arg4: memref<10000x128xf32, #tpu.memory_space<hbm>>, %arg5: memref<2x10000x128xf32, #tpu.memory_space<hbm>>, %arg6: memref<80xi32, #tpu.memory_space<vmem>>, %arg7: memref<80x128xf32, #tpu.memory_space<vmem>>, %arg8: memref<!tpu.dma_semaphore, #tpu.memory_space<semaphore_mem>>, %arg9: memref<!tpu.dma_semaphore, #tpu.memory_space<semaphore_mem>>, %arg10: memref<80xi32, #tpu.memory_space<vmem>>, %arg11: memref<80x128xf32, #tpu.memory_space<vmem>>, %arg12: memref<!tpu.dma_semaphore, #tpu.memory_space<semaphore_mem>>, %arg13: memref<!tpu.dma_semaphore, #tpu.memory_space<semaphore_mem>>, %arg14: memref<10000x128xf32, #tpu.memory_space<vmem_shared>>) attributes {dimension_semantics = [#tpu.dimension_semantics<core_parallel>, #tpu.dimension_semantics<subcore_parallel>], iteration_bounds = array<i64: 2, 16>, scalar_prefetch = 0 : i64, scratch_operands = 9 : i64, tpu.core_type = #tpu.core_type<sc_vector_subcore>, window_params = [{transform_indices = #map}, {transform_indices = #map1}, {transform_indices = #map1}, {transform_indices = #map2}]} {
    %mul3A = arith.constant 2 : i32
    %mul3A_0 = arith.muli %arg1, %mul3A : i32
    %add3A = arith.addi %mul3A_0, %arg0 : i32
    %mul3A_1 = arith.constant 10000 : i32
    %mul3A_2 = arith.muli %add3A, %mul3A_1 : i32
    %mul3A_3 = arith.constant 1000 : i32
    %mul3A_4 = arith.muli %arg1, %mul3A_3 : i32
    %lt3A = arith.constant 10 : i32
    %lt3A_5 = arith.cmpi slt, %arg1, %lt3A : i32
    %convert_element_type3A = arith.extui %lt3A_5 : i1 to i32
    %cond3A = arith.constant 0 : i32
    %cond3A_6 = arith.cmpi ne, %convert_element_type3A, %cond3A : i32
    scf.if %cond3A_6 {
      "tpu.region"() ({
        %run_scoped3A = tpu.sem_alloc : memref<!tpu.dma_semaphore, #tpu.memory_space<semaphore_mem>>
        %dma_start3A_49 = arith.constant 0 : i32
        %dma_start3A_50 = tpu.memref_slice %arg14[%mul3A_4, %dma_start3A_49] : memref<10000x128xf32, #tpu.memory_space<vmem_shared>> -> memref<1000x128xf32, #tpu.memory_space<vmem_shared>>
        %dma_start3A_51 = arith.constant 0 : i32
        %dma_start3A_52 = tpu.memref_slice %arg4[%mul3A_4, %dma_start3A_51] : memref<10000x128xf32, #tpu.memory_space<hbm>> -> memref<1000x128xf32, #tpu.memory_space<hbm>>
        tpu.enqueue_dma source(%dma_start3A_52 : memref<1000x128xf32, #tpu.memory_space<hbm>>) target(%dma_start3A_50 : memref<1000x128xf32, #tpu.memory_space<vmem_shared>>) target_semaphore(%run_scoped3A : memref<!tpu.dma_semaphore, #tpu.memory_space<semaphore_mem>>)
        %dma_wait3A_53 = arith.constant 0 : i32
        %dma_wait3A_54 = tpu.memref_slice %arg14[%mul3A_4, %dma_wait3A_53] : memref<10000x128xf32, #tpu.memory_space<vmem_shared>> -> memref<1000x128xf32, #tpu.memory_space<vmem_shared>>
        %dma_wait3A_55 = arith.constant 0 : i32
        %dma_wait3A_56 = tpu.memref_slice %arg4[%mul3A_4, %dma_wait3A_55] : memref<10000x128xf32, #tpu.memory_space<hbm>> -> memref<1000x128xf32, #tpu.memory_space<hbm>>
        tpu.wait_dma2 semaphore(%run_scoped3A : memref<!tpu.dma_semaphore, #tpu.memory_space<semaphore_mem>>) src(%dma_wait3A_56 : memref<1000x128xf32, #tpu.memory_space<hbm>>) dst(%dma_wait3A_54 : memref<1000x128xf32, #tpu.memory_space<vmem_shared>>)
        tpu.yield
      }) : () -> ()
    } else {
    }
    %barrier3A = arith.constant 0 : index
    tpu.barrier barrier_id(%barrier3A)
    %add3A_7 = arith.constant 0 : i32
    %add3A_8 = arith.addi %mul3A_2, %add3A_7 : i32
    %dma_start3A = tpu.memref_slice %arg2[%add3A_8] : memref<320000xi32, #tpu.memory_space<hbm>> -> memref<80xi32, #tpu.memory_space<hbm>>
    %dma_start3A_9 = tpu.memref_slice %arg2[%add3A_8] : memref<320000xi32, #tpu.memory_space<hbm>> -> memref<80xi32, #tpu.memory_space<hbm>>
    tpu.enqueue_dma source(%dma_start3A_9 : memref<80xi32, #tpu.memory_space<hbm>>) target(%arg6 : memref<80xi32, #tpu.memory_space<vmem>>) target_semaphore(%arg8 : memref<!tpu.dma_semaphore, #tpu.memory_space<semaphore_mem>>)
    %dma_start3A_10 = arith.constant 0 : i32
    %dma_start3A_11 = tpu.memref_slice %arg3[%add3A_8, %dma_start3A_10] : memref<320000x128xf32, #tpu.memory_space<hbm>> -> memref<80x128xf32, #tpu.memory_space<hbm>>
    %dma_start3A_12 = arith.constant 0 : i32
    %dma_start3A_13 = tpu.memref_slice %arg3[%add3A_8, %dma_start3A_12] : memref<320000x128xf32, #tpu.memory_space<hbm>> -> memref<80x128xf32, #tpu.memory_space<hbm>>
    tpu.enqueue_dma source(%dma_start3A_13 : memref<80x128xf32, #tpu.memory_space<hbm>>) target(%arg7 : memref<80x128xf32, #tpu.memory_space<vmem>>) target_semaphore(%arg8 : memref<!tpu.dma_semaphore, #tpu.memory_space<semaphore_mem>>)
    %scan3A = arith.constant 0 : i32
    %scan3A_14 = arith.constant 0 : i32
    %scan3A_15 = arith.constant 62 : i32
    %scan3A_16 = arith.addi %scan3A_14, %scan3A_15 : i32
    %scan3A_17 = arith.constant 1 : i32
    scf.for %scan3A_49 = %scan3A_14 to %scan3A_16 step %scan3A_17  : i32 {
      %mul3A_50 = arith.constant 2 : i32
      %mul3A_51 = arith.muli %mul3A_50, %scan3A_49 : i32
      %dma_wait3A_52 = arith.constant 0 : i32
      %dma_wait3A_53 = tpu.memref_slice %arg2[%dma_wait3A_52] : memref<320000xi32, #tpu.memory_space<hbm>> -> memref<80xi32, #tpu.memory_space<hbm>>
      %dma_wait3A_54 = arith.constant 0 : i32
      %dma_wait3A_55 = tpu.memref_slice %arg2[%dma_wait3A_54] : memref<320000xi32, #tpu.memory_space<hbm>> -> memref<80xi32, #tpu.memory_space<hbm>>
      tpu.wait_dma2 semaphore(%arg8 : memref<!tpu.dma_semaphore, #tpu.memory_space<semaphore_mem>>) src(%dma_wait3A_55 : memref<80xi32, #tpu.memory_space<hbm>>) dst(%arg6 : memref<80xi32, #tpu.memory_space<vmem>>)
      %dma_wait3A_56 = arith.constant 0 : i32
      %dma_wait3A_57 = arith.constant 0 : i32
      %dma_wait3A_58 = tpu.memref_slice %arg3[%dma_wait3A_56, %dma_wait3A_57] : memref<320000x128xf32, #tpu.memory_space<hbm>> -> memref<80x128xf32, #tpu.memory_space<hbm>>
      %dma_wait3A_59 = arith.constant 0 : i32
      %dma_wait3A_60 = arith.constant 0 : i32
      %dma_wait3A_61 = tpu.memref_slice %arg3[%dma_wait3A_59, %dma_wait3A_60] : memref<320000x128xf32, #tpu.memory_space<hbm>> -> memref<80x128xf32, #tpu.memory_space<hbm>>
      tpu.wait_dma2 semaphore(%arg8 : memref<!tpu.dma_semaphore, #tpu.memory_space<semaphore_mem>>) src(%dma_wait3A_61 : memref<80x128xf32, #tpu.memory_space<hbm>>) dst(%arg7 : memref<80x128xf32, #tpu.memory_space<vmem>>)
      %dma_start3A_62 = arith.constant 0 : i32
      %dma_start3A_63 = arith.constant 0 : i32
      %dma_start3A_64 = tpu.memref_slice %arg14[%dma_start3A_62, %dma_start3A_63] : memref<10000x128xf32, #tpu.memory_space<vmem_shared>> -> memref<10000x128xf32, #tpu.memory_space<vmem_shared>>
      tpu.enqueue_indirect_dma source(%arg7 : memref<80x128xf32, #tpu.memory_space<vmem>>) target(%dma_start3A_64 : memref<10000x128xf32, #tpu.memory_space<vmem_shared>>) offsets(%arg6 : memref<80xi32, #tpu.memory_space<vmem>>) semaphore(%arg9 : memref<!tpu.dma_semaphore, #tpu.memory_space<semaphore_mem>>) {add = true}
      %add3A_65 = arith.constant 1 : i32
      %add3A_66 = arith.addi %mul3A_51, %add3A_65 : i32
      %lt3A_67 = arith.constant 125 : i32
      %lt3A_68 = arith.cmpi slt, %add3A_66, %lt3A_67 : i32
      %convert_element_type3A_69 = arith.extui %lt3A_68 : i1 to i32
      %cond3A_70 = arith.constant 0 : i32
      %cond3A_71 = arith.cmpi ne, %convert_element_type3A_69, %cond3A_70 : i32
      scf.if %cond3A_71 {
        %add3A_96 = arith.constant 1 : i32
        %add3A_97 = arith.addi %mul3A_51, %add3A_96 : i32
        %ge3A = arith.constant 2 : i32
        %ge3A_98 = arith.cmpi sge, %add3A_97, %ge3A : i32
        %convert_element_type3A_99 = arith.extui %ge3A_98 : i1 to i32
        %cond3A_100 = arith.constant 0 : i32
        %cond3A_101 = arith.cmpi ne, %convert_element_type3A_99, %cond3A_100 : i32
        scf.if %cond3A_101 {
          %dma_wait3A_111 = arith.constant 0 : i32
          %dma_wait3A_112 = arith.constant 0 : i32
          %dma_wait3A_113 = tpu.memref_slice %arg14[%dma_wait3A_111, %dma_wait3A_112] : memref<10000x128xf32, #tpu.memory_space<vmem_shared>> -> memref<80x128xf32, #tpu.memory_space<vmem_shared>>
          %dma_wait3A_114 = arith.constant 0 : i32
          %dma_wait3A_115 = arith.constant 0 : i32
          %dma_wait3A_116 = tpu.memref_slice %arg14[%dma_wait3A_114, %dma_wait3A_115] : memref<10000x128xf32, #tpu.memory_space<vmem_shared>> -> memref<80x128xf32, #tpu.memory_space<vmem_shared>>
          tpu.wait_dma2 semaphore(%arg13 : memref<!tpu.dma_semaphore, #tpu.memory_space<semaphore_mem>>) src(%arg11 : memref<80x128xf32, #tpu.memory_space<vmem>>) dst(%dma_wait3A_116 : memref<80x128xf32, #tpu.memory_space<vmem_shared>>)
        } else {
        }
        %mul3A_102 = arith.constant 80 : i32
        %mul3A_103 = arith.muli %add3A_97, %mul3A_102 : i32
        %add3A_104 = arith.addi %mul3A_2, %mul3A_103 : i32
        %dma_start3A_105 = tpu.memref_slice %arg2[%add3A_104] : memref<320000xi32, #tpu.memory_space<hbm>> -> memref<80xi32, #tpu.memory_space<hbm>>
        %dma_start3A_106 = tpu.memref_slice %arg2[%add3A_104] : memref<320000xi32, #tpu.memory_space<hbm>> -> memref<80xi32, #tpu.memory_space<hbm>>
        tpu.enqueue_dma source(%dma_start3A_106 : memref<80xi32, #tpu.memory_space<hbm>>) target(%arg10 : memref<80xi32, #tpu.memory_space<vmem>>) target_semaphore(%arg12 : memref<!tpu.dma_semaphore, #tpu.memory_space<semaphore_mem>>)
        %dma_start3A_107 = arith.constant 0 : i32
        %dma_start3A_108 = tpu.memref_slice %arg3[%add3A_104, %dma_start3A_107] : memref<320000x128xf32, #tpu.memory_space<hbm>> -> memref<80x128xf32, #tpu.memory_space<hbm>>
        %dma_start3A_109 = arith.constant 0 : i32
        %dma_start3A_110 = tpu.memref_slice %arg3[%add3A_104, %dma_start3A_109] : memref<320000x128xf32, #tpu.memory_space<hbm>> -> memref<80x128xf32, #tpu.memory_space<hbm>>
        tpu.enqueue_dma source(%dma_start3A_110 : memref<80x128xf32, #tpu.memory_space<hbm>>) target(%arg11 : memref<80x128xf32, #tpu.memory_space<vmem>>) target_semaphore(%arg12 : memref<!tpu.dma_semaphore, #tpu.memory_space<semaphore_mem>>)
      } else {
      }
      %mul3A_72 = arith.constant 2 : i32
      %mul3A_73 = arith.muli %mul3A_72, %scan3A_49 : i32
      %add3A_74 = arith.constant 1 : i32
      %add3A_75 = arith.addi %mul3A_73, %add3A_74 : i32
      %dma_wait3A_76 = arith.constant 0 : i32
      %dma_wait3A_77 = tpu.memref_slice %arg2[%dma_wait3A_76] : memref<320000xi32, #tpu.memory_space<hbm>> -> memref<80xi32, #tpu.memory_space<hbm>>
      %dma_wait3A_78 = arith.constant 0 : i32
      %dma_wait3A_79 = tpu.memref_slice %arg2[%dma_wait3A_78] : memref<320000xi32, #tpu.memory_space<hbm>> -> memref<80xi32, #tpu.memory_space<hbm>>
      tpu.wait_dma2 semaphore(%arg12 : memref<!tpu.dma_semaphore, #tpu.memory_space<semaphore_mem>>) src(%dma_wait3A_79 : memref<80xi32, #tpu.memory_space<hbm>>) dst(%arg10 : memref<80xi32, #tpu.memory_space<vmem>>)
      %dma_wait3A_80 = arith.constant 0 : i32
      %dma_wait3A_81 = arith.constant 0 : i32
      %dma_wait3A_82 = tpu.memref_slice %arg3[%dma_wait3A_80, %dma_wait3A_81] : memref<320000x128xf32, #tpu.memory_space<hbm>> -> memref<80x128xf32, #tpu.memory_space<hbm>>
      %dma_wait3A_83 = arith.constant 0 : i32
      %dma_wait3A_84 = arith.constant 0 : i32
      %dma_wait3A_85 = tpu.memref_slice %arg3[%dma_wait3A_83, %dma_wait3A_84] : memref<320000x128xf32, #tpu.memory_space<hbm>> -> memref<80x128xf32, #tpu.memory_space<hbm>>
      tpu.wait_dma2 semaphore(%arg12 : memref<!tpu.dma_semaphore, #tpu.memory_space<semaphore_mem>>) src(%dma_wait3A_85 : memref<80x128xf32, #tpu.memory_space<hbm>>) dst(%arg11 : memref<80x128xf32, #tpu.memory_space<vmem>>)
      %dma_start3A_86 = arith.constant 0 : i32
      %dma_start3A_87 = arith.constant 0 : i32
      %dma_start3A_88 = tpu.memref_slice %arg14[%dma_start3A_86, %dma_start3A_87] : memref<10000x128xf32, #tpu.memory_space<vmem_shared>> -> memref<10000x128xf32, #tpu.memory_space<vmem_shared>>
      tpu.enqueue_indirect_dma source(%arg11 : memref<80x128xf32, #tpu.memory_space<vmem>>) target(%dma_start3A_88 : memref<10000x128xf32, #tpu.memory_space<vmem_shared>>) offsets(%arg10 : memref<80xi32, #tpu.memory_space<vmem>>) semaphore(%arg13 : memref<!tpu.dma_semaphore, #tpu.memory_space<semaphore_mem>>) {add = true}
      %add3A_89 = arith.constant 1 : i32
      %add3A_90 = arith.addi %add3A_75, %add3A_89 : i32
      %lt3A_91 = arith.constant 125 : i32
      %lt3A_92 = arith.cmpi slt, %add3A_90, %lt3A_91 : i32
      %convert_element_type3A_93 = arith.extui %lt3A_92 : i1 to i32
      %cond3A_94 = arith.constant 0 : i32
      %cond3A_95 = arith.cmpi ne, %convert_element_type3A_93, %cond3A_94 : i32
      scf.if %cond3A_95 {
        %add3A_96 = arith.constant 1 : i32
        %add3A_97 = arith.addi %add3A_75, %add3A_96 : i32
        %ge3A = arith.constant 2 : i32
        %ge3A_98 = arith.cmpi sge, %add3A_97, %ge3A : i32
        %convert_element_type3A_99 = arith.extui %ge3A_98 : i1 to i32
        %cond3A_100 = arith.constant 0 : i32
        %cond3A_101 = arith.cmpi ne, %convert_element_type3A_99, %cond3A_100 : i32
        scf.if %cond3A_101 {
          %dma_wait3A_111 = arith.constant 0 : i32
          %dma_wait3A_112 = arith.constant 0 : i32
          %dma_wait3A_113 = tpu.memref_slice %arg14[%dma_wait3A_111, %dma_wait3A_112] : memref<10000x128xf32, #tpu.memory_space<vmem_shared>> -> memref<80x128xf32, #tpu.memory_space<vmem_shared>>
          %dma_wait3A_114 = arith.constant 0 : i32
          %dma_wait3A_115 = arith.constant 0 : i32
          %dma_wait3A_116 = tpu.memref_slice %arg14[%dma_wait3A_114, %dma_wait3A_115] : memref<10000x128xf32, #tpu.memory_space<vmem_shared>> -> memref<80x128xf32, #tpu.memory_space<vmem_shared>>
          tpu.wait_dma2 semaphore(%arg9 : memref<!tpu.dma_semaphore, #tpu.memory_space<semaphore_mem>>) src(%arg7 : memref<80x128xf32, #tpu.memory_space<vmem>>) dst(%dma_wait3A_116 : memref<80x128xf32, #tpu.memory_space<vmem_shared>>)
        } else {
        }
        %mul3A_102 = arith.constant 80 : i32
        %mul3A_103 = arith.muli %add3A_97, %mul3A_102 : i32
        %add3A_104 = arith.addi %mul3A_2, %mul3A_103 : i32
        %dma_start3A_105 = tpu.memref_slice %arg2[%add3A_104] : memref<320000xi32, #tpu.memory_space<hbm>> -> memref<80xi32, #tpu.memory_space<hbm>>
        %dma_start3A_106 = tpu.memref_slice %arg2[%add3A_104] : memref<320000xi32, #tpu.memory_space<hbm>> -> memref<80xi32, #tpu.memory_space<hbm>>
        tpu.enqueue_dma source(%dma_start3A_106 : memref<80xi32, #tpu.memory_space<hbm>>) target(%arg6 : memref<80xi32, #tpu.memory_space<vmem>>) target_semaphore(%arg8 : memref<!tpu.dma_semaphore, #tpu.memory_space<semaphore_mem>>)
        %dma_start3A_107 = arith.constant 0 : i32
        %dma_start3A_108 = tpu.memref_slice %arg3[%add3A_104, %dma_start3A_107] : memref<320000x128xf32, #tpu.memory_space<hbm>> -> memref<80x128xf32, #tpu.memory_space<hbm>>
        %dma_start3A_109 = arith.constant 0 : i32
        %dma_start3A_110 = tpu.memref_slice %arg3[%add3A_104, %dma_start3A_109] : memref<320000x128xf32, #tpu.memory_space<hbm>> -> memref<80x128xf32, #tpu.memory_space<hbm>>
        tpu.enqueue_dma source(%dma_start3A_110 : memref<80x128xf32, #tpu.memory_space<hbm>>) target(%arg7 : memref<80x128xf32, #tpu.memory_space<vmem>>) target_semaphore(%arg8 : memref<!tpu.dma_semaphore, #tpu.memory_space<semaphore_mem>>)
      } else {
      }
    }
    %scan3A_18 = arith.constant 62 : i32
    %dma_wait3A = arith.constant 0 : i32
    %dma_wait3A_19 = tpu.memref_slice %arg2[%dma_wait3A] : memref<320000xi32, #tpu.memory_space<hbm>> -> memref<80xi32, #tpu.memory_space<hbm>>
    %dma_wait3A_20 = arith.constant 0 : i32
    %dma_wait3A_21 = tpu.memref_slice %arg2[%dma_wait3A_20] : memref<320000xi32, #tpu.memory_space<hbm>> -> memref<80xi32, #tpu.memory_space<hbm>>
    tpu.wait_dma2 semaphore(%arg8 : memref<!tpu.dma_semaphore, #tpu.memory_space<semaphore_mem>>) src(%dma_wait3A_21 : memref<80xi32, #tpu.memory_space<hbm>>) dst(%arg6 : memref<80xi32, #tpu.memory_space<vmem>>)
    %dma_wait3A_22 = arith.constant 0 : i32
    %dma_wait3A_23 = arith.constant 0 : i32
    %dma_wait3A_24 = tpu.memref_slice %arg3[%dma_wait3A_22, %dma_wait3A_23] : memref<320000x128xf32, #tpu.memory_space<hbm>> -> memref<80x128xf32, #tpu.memory_space<hbm>>
    %dma_wait3A_25 = arith.constant 0 : i32
    %dma_wait3A_26 = arith.constant 0 : i32
    %dma_wait3A_27 = tpu.memref_slice %arg3[%dma_wait3A_25, %dma_wait3A_26] : memref<320000x128xf32, #tpu.memory_space<hbm>> -> memref<80x128xf32, #tpu.memory_space<hbm>>
    tpu.wait_dma2 semaphore(%arg8 : memref<!tpu.dma_semaphore, #tpu.memory_space<semaphore_mem>>) src(%dma_wait3A_27 : memref<80x128xf32, #tpu.memory_space<hbm>>) dst(%arg7 : memref<80x128xf32, #tpu.memory_space<vmem>>)
    %dma_start3A_28 = arith.constant 0 : i32
    %dma_start3A_29 = arith.constant 0 : i32
    %dma_start3A_30 = tpu.memref_slice %arg14[%dma_start3A_28, %dma_start3A_29] : memref<10000x128xf32, #tpu.memory_space<vmem_shared>> -> memref<10000x128xf32, #tpu.memory_space<vmem_shared>>
    tpu.enqueue_indirect_dma source(%arg7 : memref<80x128xf32, #tpu.memory_space<vmem>>) target(%dma_start3A_30 : memref<10000x128xf32, #tpu.memory_space<vmem_shared>>) offsets(%arg6 : memref<80xi32, #tpu.memory_space<vmem>>) semaphore(%arg9 : memref<!tpu.dma_semaphore, #tpu.memory_space<semaphore_mem>>) {add = true}
    %dma_wait3A_31 = arith.constant 0 : i32
    %dma_wait3A_32 = arith.constant 0 : i32
    %dma_wait3A_33 = tpu.memref_slice %arg14[%dma_wait3A_31, %dma_wait3A_32] : memref<10000x128xf32, #tpu.memory_space<vmem_shared>> -> memref<80x128xf32, #tpu.memory_space<vmem_shared>>
    %dma_wait3A_34 = arith.constant 0 : i32
    %dma_wait3A_35 = arith.constant 0 : i32
    %dma_wait3A_36 = tpu.memref_slice %arg14[%dma_wait3A_34, %dma_wait3A_35] : memref<10000x128xf32, #tpu.memory_space<vmem_shared>> -> memref<80x128xf32, #tpu.memory_space<vmem_shared>>
    tpu.wait_dma2 semaphore(%arg9 : memref<!tpu.dma_semaphore, #tpu.memory_space<semaphore_mem>>) src(%arg7 : memref<80x128xf32, #tpu.memory_space<vmem>>) dst(%dma_wait3A_36 : memref<80x128xf32, #tpu.memory_space<vmem_shared>>)
    %dma_wait3A_37 = arith.constant 0 : i32
    %dma_wait3A_38 = arith.constant 0 : i32
    %dma_wait3A_39 = tpu.memref_slice %arg14[%dma_wait3A_37, %dma_wait3A_38] : memref<10000x128xf32, #tpu.memory_space<vmem_shared>> -> memref<80x128xf32, #tpu.memory_space<vmem_shared>>
    %dma_wait3A_40 = arith.constant 0 : i32
    %dma_wait3A_41 = arith.constant 0 : i32
    %dma_wait3A_42 = tpu.memref_slice %arg14[%dma_wait3A_40, %dma_wait3A_41] : memref<10000x128xf32, #tpu.memory_space<vmem_shared>> -> memref<80x128xf32, #tpu.memory_space<vmem_shared>>
    tpu.wait_dma2 semaphore(%arg13 : memref<!tpu.dma_semaphore, #tpu.memory_space<semaphore_mem>>) src(%arg11 : memref<80x128xf32, #tpu.memory_space<vmem>>) dst(%dma_wait3A_42 : memref<80x128xf32, #tpu.memory_space<vmem_shared>>)
    %barrier3A_43 = arith.constant 0 : index
    tpu.barrier barrier_id(%barrier3A_43)
    %lt3A_44 = arith.constant 10 : i32
    %lt3A_45 = arith.cmpi slt, %arg1, %lt3A_44 : i32
    %convert_element_type3A_46 = arith.extui %lt3A_45 : i1 to i32
    %cond3A_47 = arith.constant 0 : i32
    %cond3A_48 = arith.cmpi ne, %convert_element_type3A_46, %cond3A_47 : i32
    scf.if %cond3A_48 {
      "tpu.region"() ({
        %run_scoped3A = tpu.sem_alloc : memref<!tpu.dma_semaphore, #tpu.memory_space<semaphore_mem>>
        %dma_start3A_49 = arith.constant 0 : i32
        %dma_start3A_50 = tpu.memref_slice %arg5[%arg0, %mul3A_4, %dma_start3A_49] : memref<2x10000x128xf32, #tpu.memory_space<hbm>> -> memref<1x1000x128xf32, #tpu.memory_space<hbm>>
        %dma_start3A_51 = tpu.memref_squeeze %dma_start3A_50 : memref<1x1000x128xf32, #tpu.memory_space<hbm>> -> memref<1000x128xf32, #tpu.memory_space<hbm>>
        %dma_start3A_52 = arith.constant 0 : i32
        %dma_start3A_53 = tpu.memref_slice %arg14[%mul3A_4, %dma_start3A_52] : memref<10000x128xf32, #tpu.memory_space<vmem_shared>> -> memref<1000x128xf32, #tpu.memory_space<vmem_shared>>
        tpu.enqueue_dma source(%dma_start3A_53 : memref<1000x128xf32, #tpu.memory_space<vmem_shared>>) target(%dma_start3A_51 : memref<1000x128xf32, #tpu.memory_space<hbm>>) target_semaphore(%run_scoped3A : memref<!tpu.dma_semaphore, #tpu.memory_space<semaphore_mem>>)
        %dma_wait3A_54 = arith.constant 0 : i32
        %dma_wait3A_55 = tpu.memref_slice %arg5[%arg0, %mul3A_4, %dma_wait3A_54] : memref<2x10000x128xf32, #tpu.memory_space<hbm>> -> memref<1x1000x128xf32, #tpu.memory_space<hbm>>
        %dma_wait3A_56 = tpu.memref_squeeze %dma_wait3A_55 : memref<1x1000x128xf32, #tpu.memory_space<hbm>> -> memref<1000x128xf32, #tpu.memory_space<hbm>>
        %dma_wait3A_57 = arith.constant 0 : i32
        %dma_wait3A_58 = tpu.memref_slice %arg14[%mul3A_4, %dma_wait3A_57] : memref<10000x128xf32, #tpu.memory_space<vmem_shared>> -> memref<1000x128xf32, #tpu.memory_space<vmem_shared>>
        tpu.wait_dma2 semaphore(%run_scoped3A : memref<!tpu.dma_semaphore, #tpu.memory_space<semaphore_mem>>) src(%dma_wait3A_58 : memref<1000x128xf32, #tpu.memory_space<vmem_shared>>) dst(%dma_wait3A_56 : memref<1000x128xf32, #tpu.memory_space<hbm>>)
        tpu.yield
      }) : () -> ()
    } else {
    }
    return
  }
}

#map = affine_map<(d0, d1) -> (0)>
#map1 = affine_map<(d0, d1) -> (0, 0)>
module attributes {stable_mosaic.version = 14 : i64} {
  func.func @_gather_k_body(%arg0: i32, %arg1: i32, %arg2: memref<320000xi32, #tpu.memory_space<hbm>>, %arg3: memref<320000xi32, #tpu.memory_space<hbm>>, %arg4: memref<10000x128xf32, #tpu.memory_space<hbm>>, %arg5: memref<10000x128xf32, #tpu.memory_space<hbm>>, %arg6: memref<10000x128xf32, #tpu.memory_space<hbm>>, %arg7: memref<320000x128xf32, #tpu.memory_space<hbm>>, %arg8: memref<320000x128xf32, #tpu.memory_space<hbm>>, %arg9: memref<200xi32, #tpu.memory_space<vmem>>, %arg10: memref<200xi32, #tpu.memory_space<vmem>>, %arg11: memref<200x128xf32, #tpu.memory_space<vmem>>, %arg12: memref<200x128xf32, #tpu.memory_space<vmem>>, %arg13: memref<!tpu.dma_semaphore, #tpu.memory_space<semaphore_mem>>, %arg14: memref<!tpu.dma_semaphore, #tpu.memory_space<semaphore_mem>>, %arg15: memref<!tpu.dma_semaphore, #tpu.memory_space<semaphore_mem>>, %arg16: memref<200xi32, #tpu.memory_space<vmem>>, %arg17: memref<200xi32, #tpu.memory_space<vmem>>, %arg18: memref<200x128xf32, #tpu.memory_space<vmem>>, %arg19: memref<200x128xf32, #tpu.memory_space<vmem>>, %arg20: memref<!tpu.dma_semaphore, #tpu.memory_space<semaphore_mem>>, %arg21: memref<!tpu.dma_semaphore, #tpu.memory_space<semaphore_mem>>, %arg22: memref<!tpu.dma_semaphore, #tpu.memory_space<semaphore_mem>>) attributes {dimension_semantics = [#tpu.dimension_semantics<core_parallel>, #tpu.dimension_semantics<subcore_parallel>], iteration_bounds = array<i64: 2, 16>, scalar_prefetch = 0 : i64, scratch_operands = 14 : i64, tpu.core_type = #tpu.core_type<sc_vector_subcore>, window_params = [{transform_indices = #map}, {transform_indices = #map}, {transform_indices = #map1}, {transform_indices = #map1}, {transform_indices = #map1}, {transform_indices = #map1}, {transform_indices = #map1}]} {
    %mul3A = arith.constant 2 : i32
    %mul3A_0 = arith.muli %arg1, %mul3A : i32
    %add3A = arith.addi %mul3A_0, %arg0 : i32
    %mul3A_1 = arith.constant 10000 : i32
    %mul3A_2 = arith.muli %add3A, %mul3A_1 : i32
    %add3A_3 = arith.constant 0 : i32
    %add3A_4 = arith.addi %mul3A_2, %add3A_3 : i32
    "tpu.region"() ({
      %run_scoped3A = tpu.sem_alloc : memref<!tpu.dma_semaphore, #tpu.memory_space<semaphore_mem>>
      %dma_start3A_30 = tpu.memref_slice %arg2[%add3A_4] : memref<320000xi32, #tpu.memory_space<hbm>> -> memref<200xi32, #tpu.memory_space<hbm>>
      %dma_start3A_31 = tpu.memref_slice %arg2[%add3A_4] : memref<320000xi32, #tpu.memory_space<hbm>> -> memref<200xi32, #tpu.memory_space<hbm>>
      tpu.enqueue_dma source(%dma_start3A_31 : memref<200xi32, #tpu.memory_space<hbm>>) target(%arg9 : memref<200xi32, #tpu.memory_space<vmem>>) target_semaphore(%run_scoped3A : memref<!tpu.dma_semaphore, #tpu.memory_space<semaphore_mem>>)
      %dma_wait3A_32 = tpu.memref_slice %arg2[%add3A_4] : memref<320000xi32, #tpu.memory_space<hbm>> -> memref<200xi32, #tpu.memory_space<hbm>>
      %dma_wait3A_33 = tpu.memref_slice %arg2[%add3A_4] : memref<320000xi32, #tpu.memory_space<hbm>> -> memref<200xi32, #tpu.memory_space<hbm>>
      tpu.wait_dma2 semaphore(%run_scoped3A : memref<!tpu.dma_semaphore, #tpu.memory_space<semaphore_mem>>) src(%dma_wait3A_33 : memref<200xi32, #tpu.memory_space<hbm>>) dst(%arg9 : memref<200xi32, #tpu.memory_space<vmem>>)
      tpu.yield
    }) : () -> ()
    "tpu.region"() ({
      %run_scoped3A = tpu.sem_alloc : memref<!tpu.dma_semaphore, #tpu.memory_space<semaphore_mem>>
      %dma_start3A_30 = tpu.memref_slice %arg3[%add3A_4] : memref<320000xi32, #tpu.memory_space<hbm>> -> memref<200xi32, #tpu.memory_space<hbm>>
      %dma_start3A_31 = tpu.memref_slice %arg3[%add3A_4] : memref<320000xi32, #tpu.memory_space<hbm>> -> memref<200xi32, #tpu.memory_space<hbm>>
      tpu.enqueue_dma source(%dma_start3A_31 : memref<200xi32, #tpu.memory_space<hbm>>) target(%arg10 : memref<200xi32, #tpu.memory_space<vmem>>) target_semaphore(%run_scoped3A : memref<!tpu.dma_semaphore, #tpu.memory_space<semaphore_mem>>)
      %dma_wait3A_32 = tpu.memref_slice %arg3[%add3A_4] : memref<320000xi32, #tpu.memory_space<hbm>> -> memref<200xi32, #tpu.memory_space<hbm>>
      %dma_wait3A_33 = tpu.memref_slice %arg3[%add3A_4] : memref<320000xi32, #tpu.memory_space<hbm>> -> memref<200xi32, #tpu.memory_space<hbm>>
      tpu.wait_dma2 semaphore(%run_scoped3A : memref<!tpu.dma_semaphore, #tpu.memory_space<semaphore_mem>>) src(%dma_wait3A_33 : memref<200xi32, #tpu.memory_space<hbm>>) dst(%arg10 : memref<200xi32, #tpu.memory_space<vmem>>)
      tpu.yield
    }) : () -> ()
    %dma_start3A = arith.constant 0 : i32
    %dma_start3A_5 = arith.constant 0 : i32
    %dma_start3A_6 = tpu.memref_slice %arg4[%dma_start3A, %dma_start3A_5] : memref<10000x128xf32, #tpu.memory_space<hbm>> -> memref<10000x128xf32, #tpu.memory_space<hbm>>
    tpu.enqueue_indirect_dma source(%dma_start3A_6 : memref<10000x128xf32, #tpu.memory_space<hbm>>) target(%arg11 : memref<200x128xf32, #tpu.memory_space<vmem>>) offsets(%arg9 : memref<200xi32, #tpu.memory_space<vmem>>) semaphore(%arg13 : memref<!tpu.dma_semaphore, #tpu.memory_space<semaphore_mem>>)
    %dma_start3A_7 = arith.constant 0 : i32
    %dma_start3A_8 = arith.constant 0 : i32
    %dma_start3A_9 = tpu.memref_slice %arg5[%dma_start3A_7, %dma_start3A_8] : memref<10000x128xf32, #tpu.memory_space<hbm>> -> memref<10000x128xf32, #tpu.memory_space<hbm>>
    tpu.enqueue_indirect_dma source(%dma_start3A_9 : memref<10000x128xf32, #tpu.memory_space<hbm>>) target(%arg12 : memref<200x128xf32, #tpu.memory_space<vmem>>) offsets(%arg9 : memref<200xi32, #tpu.memory_space<vmem>>) semaphore(%arg14 : memref<!tpu.dma_semaphore, #tpu.memory_space<semaphore_mem>>)
    %scan3A = arith.constant 0 : i32
    %scan3A_10 = arith.constant 0 : i32
    %scan3A_11 = arith.constant 25 : i32
    %scan3A_12 = arith.addi %scan3A_10, %scan3A_11 : i32
    %scan3A_13 = arith.constant 1 : i32
    scf.for %scan3A_30 = %scan3A_10 to %scan3A_12 step %scan3A_13  : i32 {
      %mul3A_31 = arith.constant 2 : i32
      %mul3A_32 = arith.muli %mul3A_31, %scan3A_30 : i32
      %mul3A_33 = arith.constant 200 : i32
      %mul3A_34 = arith.muli %mul3A_32, %mul3A_33 : i32
      %add3A_35 = arith.addi %mul3A_2, %mul3A_34 : i32
      %dma_wait3A_36 = arith.constant 0 : i32
      %dma_wait3A_37 = arith.constant 0 : i32
      %dma_wait3A_38 = tpu.memref_slice %arg5[%dma_wait3A_36, %dma_wait3A_37] : memref<10000x128xf32, #tpu.memory_space<hbm>> -> memref<200x128xf32, #tpu.memory_space<hbm>>
      %dma_wait3A_39 = arith.constant 0 : i32
      %dma_wait3A_40 = arith.constant 0 : i32
      %dma_wait3A_41 = tpu.memref_slice %arg5[%dma_wait3A_39, %dma_wait3A_40] : memref<10000x128xf32, #tpu.memory_space<hbm>> -> memref<200x128xf32, #tpu.memory_space<hbm>>
      tpu.wait_dma2 semaphore(%arg14 : memref<!tpu.dma_semaphore, #tpu.memory_space<semaphore_mem>>) src(%dma_wait3A_41 : memref<200x128xf32, #tpu.memory_space<hbm>>) dst(%arg12 : memref<200x128xf32, #tpu.memory_space<vmem>>)
      %dma_start3A_42 = arith.constant 0 : i32
      %dma_start3A_43 = arith.constant 0 : i32
      %dma_start3A_44 = tpu.memref_slice %arg6[%dma_start3A_42, %dma_start3A_43] : memref<10000x128xf32, #tpu.memory_space<hbm>> -> memref<10000x128xf32, #tpu.memory_space<hbm>>
      tpu.enqueue_indirect_dma source(%dma_start3A_44 : memref<10000x128xf32, #tpu.memory_space<hbm>>) target(%arg12 : memref<200x128xf32, #tpu.memory_space<vmem>>) offsets(%arg10 : memref<200xi32, #tpu.memory_space<vmem>>) semaphore(%arg14 : memref<!tpu.dma_semaphore, #tpu.memory_space<semaphore_mem>>) {add = true}
      %add3A_45 = arith.constant 1 : i32
      %add3A_46 = arith.addi %mul3A_32, %add3A_45 : i32
      %lt3A = arith.constant 50 : i32
      %lt3A_47 = arith.cmpi slt, %add3A_46, %lt3A : i32
      %convert_element_type3A = arith.extui %lt3A_47 : i1 to i32
      %cond3A = arith.constant 0 : i32
      %cond3A_48 = arith.cmpi ne, %convert_element_type3A, %cond3A : i32
      scf.if %cond3A_48 {
        %add3A_106 = arith.constant 1 : i32
        %add3A_107 = arith.addi %mul3A_32, %add3A_106 : i32
        %mul3A_108 = arith.constant 200 : i32
        %mul3A_109 = arith.muli %add3A_107, %mul3A_108 : i32
        %add3A_110 = arith.addi %mul3A_2, %mul3A_109 : i32
        %ge3A = arith.constant 2 : i32
        %ge3A_111 = arith.cmpi sge, %add3A_107, %ge3A : i32
        %convert_element_type3A_112 = arith.extui %ge3A_111 : i1 to i32
        %cond3A_113 = arith.constant 0 : i32
        %cond3A_114 = arith.cmpi ne, %convert_element_type3A_112, %cond3A_113 : i32
        scf.if %cond3A_114 {
          %dma_wait3A_121 = arith.constant 0 : i32
          %dma_wait3A_122 = tpu.memref_slice %arg7[%add3A_110, %dma_wait3A_121] : memref<320000x128xf32, #tpu.memory_space<hbm>> -> memref<200x128xf32, #tpu.memory_space<hbm>>
          %dma_wait3A_123 = arith.constant 0 : i32
          %dma_wait3A_124 = tpu.memref_slice %arg7[%add3A_110, %dma_wait3A_123] : memref<320000x128xf32, #tpu.memory_space<hbm>> -> memref<200x128xf32, #tpu.memory_space<hbm>>
          tpu.wait_dma2 semaphore(%arg22 : memref<!tpu.dma_semaphore, #tpu.memory_space<semaphore_mem>>) src(%arg18 : memref<200x128xf32, #tpu.memory_space<vmem>>) dst(%dma_wait3A_124 : memref<200x128xf32, #tpu.memory_space<hbm>>)
          %dma_wait3A_125 = arith.constant 0 : i32
          %dma_wait3A_126 = tpu.memref_slice %arg8[%add3A_110, %dma_wait3A_125] : memref<320000x128xf32, #tpu.memory_space<hbm>> -> memref<200x128xf32, #tpu.memory_space<hbm>>
          %dma_wait3A_127 = arith.constant 0 : i32
          %dma_wait3A_128 = tpu.memref_slice %arg8[%add3A_110, %dma_wait3A_127] : memref<320000x128xf32, #tpu.memory_space<hbm>> -> memref<200x128xf32, #tpu.memory_space<hbm>>
          tpu.wait_dma2 semaphore(%arg22 : memref<!tpu.dma_semaphore, #tpu.memory_space<semaphore_mem>>) src(%arg19 : memref<200x128xf32, #tpu.memory_space<vmem>>) dst(%dma_wait3A_128 : memref<200x128xf32, #tpu.memory_space<hbm>>)
        } else {
        }
        "tpu.region"() ({
          %run_scoped3A = tpu.sem_alloc : memref<!tpu.dma_semaphore, #tpu.memory_space<semaphore_mem>>
          %dma_start3A_121 = tpu.memref_slice %arg2[%add3A_110] : memref<320000xi32, #tpu.memory_space<hbm>> -> memref<200xi32, #tpu.memory_space<hbm>>
          %dma_start3A_122 = tpu.memref_slice %arg2[%add3A_110] : memref<320000xi32, #tpu.memory_space<hbm>> -> memref<200xi32, #tpu.memory_space<hbm>>
          tpu.enqueue_dma source(%dma_start3A_122 : memref<200xi32, #tpu.memory_space<hbm>>) target(%arg16 : memref<200xi32, #tpu.memory_space<vmem>>) target_semaphore(%run_scoped3A : memref<!tpu.dma_semaphore, #tpu.memory_space<semaphore_mem>>)
          %dma_wait3A_123 = tpu.memref_slice %arg2[%add3A_110] : memref<320000xi32, #tpu.memory_space<hbm>> -> memref<200xi32, #tpu.memory_space<hbm>>
          %dma_wait3A_124 = tpu.memref_slice %arg2[%add3A_110] : memref<320000xi32, #tpu.memory_space<hbm>> -> memref<200xi32, #tpu.memory_space<hbm>>
          tpu.wait_dma2 semaphore(%run_scoped3A : memref<!tpu.dma_semaphore, #tpu.memory_space<semaphore_mem>>) src(%dma_wait3A_124 : memref<200xi32, #tpu.memory_space<hbm>>) dst(%arg16 : memref<200xi32, #tpu.memory_space<vmem>>)
          tpu.yield
        }) : () -> ()
        "tpu.region"() ({
          %run_scoped3A = tpu.sem_alloc : memref<!tpu.dma_semaphore, #tpu.memory_space<semaphore_mem>>
          %dma_start3A_121 = tpu.memref_slice %arg3[%add3A_110] : memref<320000xi32, #tpu.memory_space<hbm>> -> memref<200xi32, #tpu.memory_space<hbm>>
          %dma_start3A_122 = tpu.memref_slice %arg3[%add3A_110] : memref<320000xi32, #tpu.memory_space<hbm>> -> memref<200xi32, #tpu.memory_space<hbm>>
          tpu.enqueue_dma source(%dma_start3A_122 : memref<200xi32, #tpu.memory_space<hbm>>) target(%arg17 : memref<200xi32, #tpu.memory_space<vmem>>) target_semaphore(%run_scoped3A : memref<!tpu.dma_semaphore, #tpu.memory_space<semaphore_mem>>)
          %dma_wait3A_123 = tpu.memref_slice %arg3[%add3A_110] : memref<320000xi32, #tpu.memory_space<hbm>> -> memref<200xi32, #tpu.memory_space<hbm>>
          %dma_wait3A_124 = tpu.memref_slice %arg3[%add3A_110] : memref<320000xi32, #tpu.memory_space<hbm>> -> memref<200xi32, #tpu.memory_space<hbm>>
          tpu.wait_dma2 semaphore(%run_scoped3A : memref<!tpu.dma_semaphore, #tpu.memory_space<semaphore_mem>>) src(%dma_wait3A_124 : memref<200xi32, #tpu.memory_space<hbm>>) dst(%arg17 : memref<200xi32, #tpu.memory_space<vmem>>)
          tpu.yield
        }) : () -> ()
        %dma_start3A_115 = arith.constant 0 : i32
        %dma_start3A_116 = arith.constant 0 : i32
        %dma_start3A_117 = tpu.memref_slice %arg4[%dma_start3A_115, %dma_start3A_116] : memref<10000x128xf32, #tpu.memory_space<hbm>> -> memref<10000x128xf32, #tpu.memory_space<hbm>>
        tpu.enqueue_indirect_dma source(%dma_start3A_117 : memref<10000x128xf32, #tpu.memory_space<hbm>>) target(%arg18 : memref<200x128xf32, #tpu.memory_space<vmem>>) offsets(%arg16 : memref<200xi32, #tpu.memory_space<vmem>>) semaphore(%arg20 : memref<!tpu.dma_semaphore, #tpu.memory_space<semaphore_mem>>)
        %dma_start3A_118 = arith.constant 0 : i32
        %dma_start3A_119 = arith.constant 0 : i32
        %dma_start3A_120 = tpu.memref_slice %arg5[%dma_start3A_118, %dma_start3A_119] : memref<10000x128xf32, #tpu.memory_space<hbm>> -> memref<10000x128xf32, #tpu.memory_space<hbm>>
        tpu.enqueue_indirect_dma source(%dma_start3A_120 : memref<10000x128xf32, #tpu.memory_space<hbm>>) target(%arg19 : memref<200x128xf32, #tpu.memory_space<vmem>>) offsets(%arg16 : memref<200xi32, #tpu.memory_space<vmem>>) semaphore(%arg21 : memref<!tpu.dma_semaphore, #tpu.memory_space<semaphore_mem>>)
      } else {
      }
      %dma_wait3A_49 = arith.constant 0 : i32
      %dma_wait3A_50 = arith.constant 0 : i32
      %dma_wait3A_51 = tpu.memref_slice %arg4[%dma_wait3A_49, %dma_wait3A_50] : memref<10000x128xf32, #tpu.memory_space<hbm>> -> memref<200x128xf32, #tpu.memory_space<hbm>>
      %dma_wait3A_52 = arith.constant 0 : i32
      %dma_wait3A_53 = arith.constant 0 : i32
      %dma_wait3A_54 = tpu.memref_slice %arg4[%dma_wait3A_52, %dma_wait3A_53] : memref<10000x128xf32, #tpu.memory_space<hbm>> -> memref<200x128xf32, #tpu.memory_space<hbm>>
      tpu.wait_dma2 semaphore(%arg13 : memref<!tpu.dma_semaphore, #tpu.memory_space<semaphore_mem>>) src(%dma_wait3A_54 : memref<200x128xf32, #tpu.memory_space<hbm>>) dst(%arg11 : memref<200x128xf32, #tpu.memory_space<vmem>>)
      %dma_start3A_55 = arith.constant 0 : i32
      %dma_start3A_56 = tpu.memref_slice %arg7[%add3A_35, %dma_start3A_55] : memref<320000x128xf32, #tpu.memory_space<hbm>> -> memref<200x128xf32, #tpu.memory_space<hbm>>
      %dma_start3A_57 = arith.constant 0 : i32
      %dma_start3A_58 = tpu.memref_slice %arg7[%add3A_35, %dma_start3A_57] : memref<320000x128xf32, #tpu.memory_space<hbm>> -> memref<200x128xf32, #tpu.memory_space<hbm>>
      tpu.enqueue_dma source(%arg11 : memref<200x128xf32, #tpu.memory_space<vmem>>) target(%dma_start3A_58 : memref<200x128xf32, #tpu.memory_space<hbm>>) target_semaphore(%arg15 : memref<!tpu.dma_semaphore, #tpu.memory_space<semaphore_mem>>)
      %dma_wait3A_59 = arith.constant 0 : i32
      %dma_wait3A_60 = arith.constant 0 : i32
      %dma_wait3A_61 = tpu.memref_slice %arg6[%dma_wait3A_59, %dma_wait3A_60] : memref<10000x128xf32, #tpu.memory_space<hbm>> -> memref<10000x128xf32, #tpu.memory_space<hbm>>
      tpu.wait_indirect_dma semaphore(%arg14 : memref<!tpu.dma_semaphore, #tpu.memory_space<semaphore_mem>>) src(%dma_wait3A_61 : memref<10000x128xf32, #tpu.memory_space<hbm>>) dst(%arg12 : memref<200x128xf32, #tpu.memory_space<vmem>>)
      %dma_start3A_62 = arith.constant 0 : i32
      %dma_start3A_63 = tpu.memref_slice %arg8[%add3A_35, %dma_start3A_62] : memref<320000x128xf32, #tpu.memory_space<hbm>> -> memref<200x128xf32, #tpu.memory_space<hbm>>
      %dma_start3A_64 = arith.constant 0 : i32
      %dma_start3A_65 = tpu.memref_slice %arg8[%add3A_35, %dma_start3A_64] : memref<320000x128xf32, #tpu.memory_space<hbm>> -> memref<200x128xf32, #tpu.memory_space<hbm>>
      tpu.enqueue_dma source(%arg12 : memref<200x128xf32, #tpu.memory_space<vmem>>) target(%dma_start3A_65 : memref<200x128xf32, #tpu.memory_space<hbm>>) target_semaphore(%arg15 : memref<!tpu.dma_semaphore, #tpu.memory_space<semaphore_mem>>)
      %mul3A_66 = arith.constant 2 : i32
      %mul3A_67 = arith.muli %mul3A_66, %scan3A_30 : i32
      %add3A_68 = arith.constant 1 : i32
      %add3A_69 = arith.addi %mul3A_67, %add3A_68 : i32
      %mul3A_70 = arith.constant 200 : i32
      %mul3A_71 = arith.muli %add3A_69, %mul3A_70 : i32
      %add3A_72 = arith.addi %mul3A_2, %mul3A_71 : i32
      %dma_wait3A_73 = arith.constant 0 : i32
      %dma_wait3A_74 = arith.constant 0 : i32
      %dma_wait3A_75 = tpu.memref_slice %arg5[%dma_wait3A_73, %dma_wait3A_74] : memref<10000x128xf32, #tpu.memory_space<hbm>> -> memref<200x128xf32, #tpu.memory_space<hbm>>
      %dma_wait3A_76 = arith.constant 0 : i32
      %dma_wait3A_77 = arith.constant 0 : i32
      %dma_wait3A_78 = tpu.memref_slice %arg5[%dma_wait3A_76, %dma_wait3A_77] : memref<10000x128xf32, #tpu.memory_space<hbm>> -> memref<200x128xf32, #tpu.memory_space<hbm>>
      tpu.wait_dma2 semaphore(%arg21 : memref<!tpu.dma_semaphore, #tpu.memory_space<semaphore_mem>>) src(%dma_wait3A_78 : memref<200x128xf32, #tpu.memory_space<hbm>>) dst(%arg19 : memref<200x128xf32, #tpu.memory_space<vmem>>)
      %dma_start3A_79 = arith.constant 0 : i32
      %dma_start3A_80 = arith.constant 0 : i32
      %dma_start3A_81 = tpu.memref_slice %arg6[%dma_start3A_79, %dma_start3A_80] : memref<10000x128xf32, #tpu.memory_space<hbm>> -> memref<10000x128xf32, #tpu.memory_space<hbm>>
      tpu.enqueue_indirect_dma source(%dma_start3A_81 : memref<10000x128xf32, #tpu.memory_space<hbm>>) target(%arg19 : memref<200x128xf32, #tpu.memory_space<vmem>>) offsets(%arg17 : memref<200xi32, #tpu.memory_space<vmem>>) semaphore(%arg21 : memref<!tpu.dma_semaphore, #tpu.memory_space<semaphore_mem>>) {add = true}
      %add3A_82 = arith.constant 1 : i32
      %add3A_83 = arith.addi %add3A_69, %add3A_82 : i32
      %lt3A_84 = arith.constant 50 : i32
      %lt3A_85 = arith.cmpi slt, %add3A_83, %lt3A_84 : i32
      %convert_element_type3A_86 = arith.extui %lt3A_85 : i1 to i32
      %cond3A_87 = arith.constant 0 : i32
      %cond3A_88 = arith.cmpi ne, %convert_element_type3A_86, %cond3A_87 : i32
      scf.if %cond3A_88 {
        %add3A_106 = arith.constant 1 : i32
        %add3A_107 = arith.addi %add3A_69, %add3A_106 : i32
        %mul3A_108 = arith.constant 200 : i32
        %mul3A_109 = arith.muli %add3A_107, %mul3A_108 : i32
        %add3A_110 = arith.addi %mul3A_2, %mul3A_109 : i32
        %ge3A = arith.constant 2 : i32
        %ge3A_111 = arith.cmpi sge, %add3A_107, %ge3A : i32
        %convert_element_type3A_112 = arith.extui %ge3A_111 : i1 to i32
        %cond3A_113 = arith.constant 0 : i32
        %cond3A_114 = arith.cmpi ne, %convert_element_type3A_112, %cond3A_113 : i32
        scf.if %cond3A_114 {
          %dma_wait3A_121 = arith.constant 0 : i32
          %dma_wait3A_122 = tpu.memref_slice %arg7[%add3A_110, %dma_wait3A_121] : memref<320000x128xf32, #tpu.memory_space<hbm>> -> memref<200x128xf32, #tpu.memory_space<hbm>>
          %dma_wait3A_123 = arith.constant 0 : i32
          %dma_wait3A_124 = tpu.memref_slice %arg7[%add3A_110, %dma_wait3A_123] : memref<320000x128xf32, #tpu.memory_space<hbm>> -> memref<200x128xf32, #tpu.memory_space<hbm>>
          tpu.wait_dma2 semaphore(%arg15 : memref<!tpu.dma_semaphore, #tpu.memory_space<semaphore_mem>>) src(%arg11 : memref<200x128xf32, #tpu.memory_space<vmem>>) dst(%dma_wait3A_124 : memref<200x128xf32, #tpu.memory_space<hbm>>)
          %dma_wait3A_125 = arith.constant 0 : i32
          %dma_wait3A_126 = tpu.memref_slice %arg8[%add3A_110, %dma_wait3A_125] : memref<320000x128xf32, #tpu.memory_space<hbm>> -> memref<200x128xf32, #tpu.memory_space<hbm>>
          %dma_wait3A_127 = arith.constant 0 : i32
          %dma_wait3A_128 = tpu.memref_slice %arg8[%add3A_110, %dma_wait3A_127] : memref<320000x128xf32, #tpu.memory_space<hbm>> -> memref<200x128xf32, #tpu.memory_space<hbm>>
          tpu.wait_dma2 semaphore(%arg15 : memref<!tpu.dma_semaphore, #tpu.memory_space<semaphore_mem>>) src(%arg12 : memref<200x128xf32, #tpu.memory_space<vmem>>) dst(%dma_wait3A_128 : memref<200x128xf32, #tpu.memory_space<hbm>>)
        } else {
        }
        "tpu.region"() ({
          %run_scoped3A = tpu.sem_alloc : memref<!tpu.dma_semaphore, #tpu.memory_space<semaphore_mem>>
          %dma_start3A_121 = tpu.memref_slice %arg2[%add3A_110] : memref<320000xi32, #tpu.memory_space<hbm>> -> memref<200xi32, #tpu.memory_space<hbm>>
          %dma_start3A_122 = tpu.memref_slice %arg2[%add3A_110] : memref<320000xi32, #tpu.memory_space<hbm>> -> memref<200xi32, #tpu.memory_space<hbm>>
          tpu.enqueue_dma source(%dma_start3A_122 : memref<200xi32, #tpu.memory_space<hbm>>) target(%arg9 : memref<200xi32, #tpu.memory_space<vmem>>) target_semaphore(%run_scoped3A : memref<!tpu.dma_semaphore, #tpu.memory_space<semaphore_mem>>)
          %dma_wait3A_123 = tpu.memref_slice %arg2[%add3A_110] : memref<320000xi32, #tpu.memory_space<hbm>> -> memref<200xi32, #tpu.memory_space<hbm>>
          %dma_wait3A_124 = tpu.memref_slice %arg2[%add3A_110] : memref<320000xi32, #tpu.memory_space<hbm>> -> memref<200xi32, #tpu.memory_space<hbm>>
          tpu.wait_dma2 semaphore(%run_scoped3A : memref<!tpu.dma_semaphore, #tpu.memory_space<semaphore_mem>>) src(%dma_wait3A_124 : memref<200xi32, #tpu.memory_space<hbm>>) dst(%arg9 : memref<200xi32, #tpu.memory_space<vmem>>)
          tpu.yield
        }) : () -> ()
        "tpu.region"() ({
          %run_scoped3A = tpu.sem_alloc : memref<!tpu.dma_semaphore, #tpu.memory_space<semaphore_mem>>
          %dma_start3A_121 = tpu.memref_slice %arg3[%add3A_110] : memref<320000xi32, #tpu.memory_space<hbm>> -> memref<200xi32, #tpu.memory_space<hbm>>
          %dma_start3A_122 = tpu.memref_slice %arg3[%add3A_110] : memref<320000xi32, #tpu.memory_space<hbm>> -> memref<200xi32, #tpu.memory_space<hbm>>
          tpu.enqueue_dma source(%dma_start3A_122 : memref<200xi32, #tpu.memory_space<hbm>>) target(%arg10 : memref<200xi32, #tpu.memory_space<vmem>>) target_semaphore(%run_scoped3A : memref<!tpu.dma_semaphore, #tpu.memory_space<semaphore_mem>>)
          %dma_wait3A_123 = tpu.memref_slice %arg3[%add3A_110] : memref<320000xi32, #tpu.memory_space<hbm>> -> memref<200xi32, #tpu.memory_space<hbm>>
          %dma_wait3A_124 = tpu.memref_slice %arg3[%add3A_110] : memref<320000xi32, #tpu.memory_space<hbm>> -> memref<200xi32, #tpu.memory_space<hbm>>
          tpu.wait_dma2 semaphore(%run_scoped3A : memref<!tpu.dma_semaphore, #tpu.memory_space<semaphore_mem>>) src(%dma_wait3A_124 : memref<200xi32, #tpu.memory_space<hbm>>) dst(%arg10 : memref<200xi32, #tpu.memory_space<vmem>>)
          tpu.yield
        }) : () -> ()
        %dma_start3A_115 = arith.constant 0 : i32
        %dma_start3A_116 = arith.constant 0 : i32
        %dma_start3A_117 = tpu.memref_slice %arg4[%dma_start3A_115, %dma_start3A_116] : memref<10000x128xf32, #tpu.memory_space<hbm>> -> memref<10000x128xf32, #tpu.memory_space<hbm>>
        tpu.enqueue_indirect_dma source(%dma_start3A_117 : memref<10000x128xf32, #tpu.memory_space<hbm>>) target(%arg11 : memref<200x128xf32, #tpu.memory_space<vmem>>) offsets(%arg9 : memref<200xi32, #tpu.memory_space<vmem>>) semaphore(%arg13 : memref<!tpu.dma_semaphore, #tpu.memory_space<semaphore_mem>>)
        %dma_start3A_118 = arith.constant 0 : i32
        %dma_start3A_119 = arith.constant 0 : i32
        %dma_start3A_120 = tpu.memref_slice %arg5[%dma_start3A_118, %dma_start3A_119] : memref<10000x128xf32, #tpu.memory_space<hbm>> -> memref<10000x128xf32, #tpu.memory_space<hbm>>
        tpu.enqueue_indirect_dma source(%dma_start3A_120 : memref<10000x128xf32, #tpu.memory_space<hbm>>) target(%arg12 : memref<200x128xf32, #tpu.memory_space<vmem>>) offsets(%arg9 : memref<200xi32, #tpu.memory_space<vmem>>) semaphore(%arg14 : memref<!tpu.dma_semaphore, #tpu.memory_space<semaphore_mem>>)
      } else {
      }
      %dma_wait3A_89 = arith.constant 0 : i32
      %dma_wait3A_90 = arith.constant 0 : i32
      %dma_wait3A_91 = tpu.memref_slice %arg4[%dma_wait3A_89, %dma_wait3A_90] : memref<10000x128xf32, #tpu.memory_space<hbm>> -> memref<200x128xf32, #tpu.memory_space<hbm>>
      %dma_wait3A_92 = arith.constant 0 : i32
      %dma_wait3A_93 = arith.constant 0 : i32
      %dma_wait3A_94 = tpu.memref_slice %arg4[%dma_wait3A_92, %dma_wait3A_93] : memref<10000x128xf32, #tpu.memory_space<hbm>> -> memref<200x128xf32, #tpu.memory_space<hbm>>
      tpu.wait_dma2 semaphore(%arg20 : memref<!tpu.dma_semaphore, #tpu.memory_space<semaphore_mem>>) src(%dma_wait3A_94 : memref<200x128xf32, #tpu.memory_space<hbm>>) dst(%arg18 : memref<200x128xf32, #tpu.memory_space<vmem>>)
      %dma_start3A_95 = arith.constant 0 : i32
      %dma_start3A_96 = tpu.memref_slice %arg7[%add3A_72, %dma_start3A_95] : memref<320000x128xf32, #tpu.memory_space<hbm>> -> memref<200x128xf32, #tpu.memory_space<hbm>>
      %dma_start3A_97 = arith.constant 0 : i32
      %dma_start3A_98 = tpu.memref_slice %arg7[%add3A_72, %dma_start3A_97] : memref<320000x128xf32, #tpu.memory_space<hbm>> -> memref<200x128xf32, #tpu.memory_space<hbm>>
      tpu.enqueue_dma source(%arg18 : memref<200x128xf32, #tpu.memory_space<vmem>>) target(%dma_start3A_98 : memref<200x128xf32, #tpu.memory_space<hbm>>) target_semaphore(%arg22 : memref<!tpu.dma_semaphore, #tpu.memory_space<semaphore_mem>>)
      %dma_wait3A_99 = arith.constant 0 : i32
      %dma_wait3A_100 = arith.constant 0 : i32
      %dma_wait3A_101 = tpu.memref_slice %arg6[%dma_wait3A_99, %dma_wait3A_100] : memref<10000x128xf32, #tpu.memory_space<hbm>> -> memref<10000x128xf32, #tpu.memory_space<hbm>>
      tpu.wait_indirect_dma semaphore(%arg21 : memref<!tpu.dma_semaphore, #tpu.memory_space<semaphore_mem>>) src(%dma_wait3A_101 : memref<10000x128xf32, #tpu.memory_space<hbm>>) dst(%arg19 : memref<200x128xf32, #tpu.memory_space<vmem>>)
      %dma_start3A_102 = arith.constant 0 : i32
      %dma_start3A_103 = tpu.memref_slice %arg8[%add3A_72, %dma_start3A_102] : memref<320000x128xf32, #tpu.memory_space<hbm>> -> memref<200x128xf32, #tpu.memory_space<hbm>>
      %dma_start3A_104 = arith.constant 0 : i32
      %dma_start3A_105 = tpu.memref_slice %arg8[%add3A_72, %dma_start3A_104] : memref<320000x128xf32, #tpu.memory_space<hbm>> -> memref<200x128xf32, #tpu.memory_space<hbm>>
      tpu.enqueue_dma source(%arg19 : memref<200x128xf32, #tpu.memory_space<vmem>>) target(%dma_start3A_105 : memref<200x128xf32, #tpu.memory_space<hbm>>) target_semaphore(%arg22 : memref<!tpu.dma_semaphore, #tpu.memory_space<semaphore_mem>>)
    }
    %scan3A_14 = arith.constant 25 : i32
    %dma_wait3A = arith.constant 0 : i32
    %dma_wait3A_15 = tpu.memref_slice %arg7[%mul3A_2, %dma_wait3A] : memref<320000x128xf32, #tpu.memory_space<hbm>> -> memref<200x128xf32, #tpu.memory_space<hbm>>
    %dma_wait3A_16 = arith.constant 0 : i32
    %dma_wait3A_17 = tpu.memref_slice %arg7[%mul3A_2, %dma_wait3A_16] : memref<320000x128xf32, #tpu.memory_space<hbm>> -> memref<200x128xf32, #tpu.memory_space<hbm>>
    tpu.wait_dma2 semaphore(%arg15 : memref<!tpu.dma_semaphore, #tpu.memory_space<semaphore_mem>>) src(%arg11 : memref<200x128xf32, #tpu.memory_space<vmem>>) dst(%dma_wait3A_17 : memref<200x128xf32, #tpu.memory_space<hbm>>)
    %dma_wait3A_18 = arith.constant 0 : i32
    %dma_wait3A_19 = tpu.memref_slice %arg8[%mul3A_2, %dma_wait3A_18] : memref<320000x128xf32, #tpu.memory_space<hbm>> -> memref<200x128xf32, #tpu.memory_space<hbm>>
    %dma_wait3A_20 = arith.constant 0 : i32
    %dma_wait3A_21 = tpu.memref_slice %arg8[%mul3A_2, %dma_wait3A_20] : memref<320000x128xf32, #tpu.memory_space<hbm>> -> memref<200x128xf32, #tpu.memory_space<hbm>>
    tpu.wait_dma2 semaphore(%arg15 : memref<!tpu.dma_semaphore, #tpu.memory_space<semaphore_mem>>) src(%arg12 : memref<200x128xf32, #tpu.memory_space<vmem>>) dst(%dma_wait3A_21 : memref<200x128xf32, #tpu.memory_space<hbm>>)
    %dma_wait3A_22 = arith.constant 0 : i32
    %dma_wait3A_23 = tpu.memref_slice %arg7[%mul3A_2, %dma_wait3A_22] : memref<320000x128xf32, #tpu.memory_space<hbm>> -> memref<200x128xf32, #tpu.memory_space<hbm>>
    %dma_wait3A_24 = arith.constant 0 : i32
    %dma_wait3A_25 = tpu.memref_slice %arg7[%mul3A_2, %dma_wait3A_24] : memref<320000x128xf32, #tpu.memory_space<hbm>> -> memref<200x128xf32, #tpu.memory_space<hbm>>
    tpu.wait_dma2 semaphore(%arg22 : memref<!tpu.dma_semaphore, #tpu.memory_space<semaphore_mem>>) src(%arg18 : memref<200x128xf32, #tpu.memory_space<vmem>>) dst(%dma_wait3A_25 : memref<200x128xf32, #tpu.memory_space<hbm>>)
    %dma_wait3A_26 = arith.constant 0 : i32
    %dma_wait3A_27 = tpu.memref_slice %arg8[%mul3A_2, %dma_wait3A_26] : memref<320000x128xf32, #tpu.memory_space<hbm>> -> memref<200x128xf32, #tpu.memory_space<hbm>>
    %dma_wait3A_28 = arith.constant 0 : i32
    %dma_wait3A_29 = tpu.memref_slice %arg8[%mul3A_2, %dma_wait3A_28] : memref<320000x128xf32, #tpu.memory_space<hbm>> -> memref<200x128xf32, #tpu.memory_space<hbm>>
    tpu.wait_dma2 semaphore(%arg22 : memref<!tpu.dma_semaphore, #tpu.memory_space<semaphore_mem>>) src(%arg19 : memref<200x128xf32, #tpu.memory_space<vmem>>) dst(%dma_wait3A_29 : memref<200x128xf32, #tpu.memory_space<hbm>>)
    return
  }
}

#map = affine_map<(d0, d1) -> (0)>
#map1 = affine_map<(d0, d1) -> (0, 0)>
module attributes {stable_mosaic.version = 14 : i64} {
  func.func @_gather_m_body(%arg0: i32, %arg1: i32, %arg2: memref<320000xi32, #tpu.memory_space<hbm>>, %arg3: memref<320000xi32, #tpu.memory_space<hbm>>, %arg4: memref<10000x128xf32, #tpu.memory_space<hbm>>, %arg5: memref<10000x128xf32, #tpu.memory_space<hbm>>, %arg6: memref<320000x128xf32, #tpu.memory_space<hbm>>, %arg7: memref<200xi32, #tpu.memory_space<vmem>>, %arg8: memref<200xi32, #tpu.memory_space<vmem>>, %arg9: memref<200x128xf32, #tpu.memory_space<vmem>>, %arg10: memref<!tpu.dma_semaphore, #tpu.memory_space<semaphore_mem>>, %arg11: memref<!tpu.dma_semaphore, #tpu.memory_space<semaphore_mem>>, %arg12: memref<200xi32, #tpu.memory_space<vmem>>, %arg13: memref<200xi32, #tpu.memory_space<vmem>>, %arg14: memref<200x128xf32, #tpu.memory_space<vmem>>, %arg15: memref<!tpu.dma_semaphore, #tpu.memory_space<semaphore_mem>>, %arg16: memref<!tpu.dma_semaphore, #tpu.memory_space<semaphore_mem>>) attributes {dimension_semantics = [#tpu.dimension_semantics<core_parallel>, #tpu.dimension_semantics<subcore_parallel>], iteration_bounds = array<i64: 2, 16>, scalar_prefetch = 0 : i64, scratch_operands = 10 : i64, tpu.core_type = #tpu.core_type<sc_vector_subcore>, window_params = [{transform_indices = #map}, {transform_indices = #map}, {transform_indices = #map1}, {transform_indices = #map1}, {transform_indices = #map1}]} {
    %mul3A = arith.constant 2 : i32
    %mul3A_0 = arith.muli %arg1, %mul3A : i32
    %add3A = arith.addi %mul3A_0, %arg0 : i32
    %mul3A_1 = arith.constant 10000 : i32
    %mul3A_2 = arith.muli %add3A, %mul3A_1 : i32
    %add3A_3 = arith.constant 0 : i32
    %add3A_4 = arith.addi %mul3A_2, %add3A_3 : i32
    "tpu.region"() ({
      %run_scoped3A = tpu.sem_alloc : memref<!tpu.dma_semaphore, #tpu.memory_space<semaphore_mem>>
      %dma_start3A_19 = tpu.memref_slice %arg2[%add3A_4] : memref<320000xi32, #tpu.memory_space<hbm>> -> memref<200xi32, #tpu.memory_space<hbm>>
      %dma_start3A_20 = tpu.memref_slice %arg2[%add3A_4] : memref<320000xi32, #tpu.memory_space<hbm>> -> memref<200xi32, #tpu.memory_space<hbm>>
      tpu.enqueue_dma source(%dma_start3A_20 : memref<200xi32, #tpu.memory_space<hbm>>) target(%arg7 : memref<200xi32, #tpu.memory_space<vmem>>) target_semaphore(%run_scoped3A : memref<!tpu.dma_semaphore, #tpu.memory_space<semaphore_mem>>)
      %dma_wait3A_21 = tpu.memref_slice %arg2[%add3A_4] : memref<320000xi32, #tpu.memory_space<hbm>> -> memref<200xi32, #tpu.memory_space<hbm>>
      %dma_wait3A_22 = tpu.memref_slice %arg2[%add3A_4] : memref<320000xi32, #tpu.memory_space<hbm>> -> memref<200xi32, #tpu.memory_space<hbm>>
      tpu.wait_dma2 semaphore(%run_scoped3A : memref<!tpu.dma_semaphore, #tpu.memory_space<semaphore_mem>>) src(%dma_wait3A_22 : memref<200xi32, #tpu.memory_space<hbm>>) dst(%arg7 : memref<200xi32, #tpu.memory_space<vmem>>)
      tpu.yield
    }) : () -> ()
    "tpu.region"() ({
      %run_scoped3A = tpu.sem_alloc : memref<!tpu.dma_semaphore, #tpu.memory_space<semaphore_mem>>
      %dma_start3A_19 = tpu.memref_slice %arg3[%add3A_4] : memref<320000xi32, #tpu.memory_space<hbm>> -> memref<200xi32, #tpu.memory_space<hbm>>
      %dma_start3A_20 = tpu.memref_slice %arg3[%add3A_4] : memref<320000xi32, #tpu.memory_space<hbm>> -> memref<200xi32, #tpu.memory_space<hbm>>
      tpu.enqueue_dma source(%dma_start3A_20 : memref<200xi32, #tpu.memory_space<hbm>>) target(%arg8 : memref<200xi32, #tpu.memory_space<vmem>>) target_semaphore(%run_scoped3A : memref<!tpu.dma_semaphore, #tpu.memory_space<semaphore_mem>>)
      %dma_wait3A_21 = tpu.memref_slice %arg3[%add3A_4] : memref<320000xi32, #tpu.memory_space<hbm>> -> memref<200xi32, #tpu.memory_space<hbm>>
      %dma_wait3A_22 = tpu.memref_slice %arg3[%add3A_4] : memref<320000xi32, #tpu.memory_space<hbm>> -> memref<200xi32, #tpu.memory_space<hbm>>
      tpu.wait_dma2 semaphore(%run_scoped3A : memref<!tpu.dma_semaphore, #tpu.memory_space<semaphore_mem>>) src(%dma_wait3A_22 : memref<200xi32, #tpu.memory_space<hbm>>) dst(%arg8 : memref<200xi32, #tpu.memory_space<vmem>>)
      tpu.yield
    }) : () -> ()
    %dma_start3A = arith.constant 0 : i32
    %dma_start3A_5 = arith.constant 0 : i32
    %dma_start3A_6 = tpu.memref_slice %arg4[%dma_start3A, %dma_start3A_5] : memref<10000x128xf32, #tpu.memory_space<hbm>> -> memref<10000x128xf32, #tpu.memory_space<hbm>>
    tpu.enqueue_indirect_dma source(%dma_start3A_6 : memref<10000x128xf32, #tpu.memory_space<hbm>>) target(%arg9 : memref<200x128xf32, #tpu.memory_space<vmem>>) offsets(%arg7 : memref<200xi32, #tpu.memory_space<vmem>>) semaphore(%arg10 : memref<!tpu.dma_semaphore, #tpu.memory_space<semaphore_mem>>)
    %scan3A = arith.constant 0 : i32
    %scan3A_7 = arith.constant 0 : i32
    %scan3A_8 = arith.constant 25 : i32
    %scan3A_9 = arith.addi %scan3A_7, %scan3A_8 : i32
    %scan3A_10 = arith.constant 1 : i32
    scf.for %scan3A_19 = %scan3A_7 to %scan3A_9 step %scan3A_10  : i32 {
      %mul3A_20 = arith.constant 2 : i32
      %mul3A_21 = arith.muli %mul3A_20, %scan3A_19 : i32
      %mul3A_22 = arith.constant 200 : i32
      %mul3A_23 = arith.muli %mul3A_21, %mul3A_22 : i32
      %add3A_24 = arith.addi %mul3A_2, %mul3A_23 : i32
      %dma_wait3A_25 = arith.constant 0 : i32
      %dma_wait3A_26 = arith.constant 0 : i32
      %dma_wait3A_27 = tpu.memref_slice %arg4[%dma_wait3A_25, %dma_wait3A_26] : memref<10000x128xf32, #tpu.memory_space<hbm>> -> memref<200x128xf32, #tpu.memory_space<hbm>>
      %dma_wait3A_28 = arith.constant 0 : i32
      %dma_wait3A_29 = arith.constant 0 : i32
      %dma_wait3A_30 = tpu.memref_slice %arg4[%dma_wait3A_28, %dma_wait3A_29] : memref<10000x128xf32, #tpu.memory_space<hbm>> -> memref<200x128xf32, #tpu.memory_space<hbm>>
      tpu.wait_dma2 semaphore(%arg10 : memref<!tpu.dma_semaphore, #tpu.memory_space<semaphore_mem>>) src(%dma_wait3A_30 : memref<200x128xf32, #tpu.memory_space<hbm>>) dst(%arg9 : memref<200x128xf32, #tpu.memory_space<vmem>>)
      %dma_start3A_31 = arith.constant 0 : i32
      %dma_start3A_32 = arith.constant 0 : i32
      %dma_start3A_33 = tpu.memref_slice %arg5[%dma_start3A_31, %dma_start3A_32] : memref<10000x128xf32, #tpu.memory_space<hbm>> -> memref<10000x128xf32, #tpu.memory_space<hbm>>
      tpu.enqueue_indirect_dma source(%dma_start3A_33 : memref<10000x128xf32, #tpu.memory_space<hbm>>) target(%arg9 : memref<200x128xf32, #tpu.memory_space<vmem>>) offsets(%arg8 : memref<200xi32, #tpu.memory_space<vmem>>) semaphore(%arg10 : memref<!tpu.dma_semaphore, #tpu.memory_space<semaphore_mem>>) {add = true}
      %add3A_34 = arith.constant 1 : i32
      %add3A_35 = arith.addi %mul3A_21, %add3A_34 : i32
      %lt3A = arith.constant 50 : i32
      %lt3A_36 = arith.cmpi slt, %add3A_35, %lt3A : i32
      %convert_element_type3A = arith.extui %lt3A_36 : i1 to i32
      %cond3A = arith.constant 0 : i32
      %cond3A_37 = arith.cmpi ne, %convert_element_type3A, %cond3A : i32
      scf.if %cond3A_37 {
        %add3A_75 = arith.constant 1 : i32
        %add3A_76 = arith.addi %mul3A_21, %add3A_75 : i32
        %mul3A_77 = arith.constant 200 : i32
        %mul3A_78 = arith.muli %add3A_76, %mul3A_77 : i32
        %add3A_79 = arith.addi %mul3A_2, %mul3A_78 : i32
        %ge3A = arith.constant 2 : i32
        %ge3A_80 = arith.cmpi sge, %add3A_76, %ge3A : i32
        %convert_element_type3A_81 = arith.extui %ge3A_80 : i1 to i32
        %cond3A_82 = arith.constant 0 : i32
        %cond3A_83 = arith.cmpi ne, %convert_element_type3A_81, %cond3A_82 : i32
        scf.if %cond3A_83 {
          %dma_wait3A_87 = arith.constant 0 : i32
          %dma_wait3A_88 = tpu.memref_slice %arg6[%add3A_79, %dma_wait3A_87] : memref<320000x128xf32, #tpu.memory_space<hbm>> -> memref<200x128xf32, #tpu.memory_space<hbm>>
          %dma_wait3A_89 = arith.constant 0 : i32
          %dma_wait3A_90 = tpu.memref_slice %arg6[%add3A_79, %dma_wait3A_89] : memref<320000x128xf32, #tpu.memory_space<hbm>> -> memref<200x128xf32, #tpu.memory_space<hbm>>
          tpu.wait_dma2 semaphore(%arg16 : memref<!tpu.dma_semaphore, #tpu.memory_space<semaphore_mem>>) src(%arg14 : memref<200x128xf32, #tpu.memory_space<vmem>>) dst(%dma_wait3A_90 : memref<200x128xf32, #tpu.memory_space<hbm>>)
        } else {
        }
        "tpu.region"() ({
          %run_scoped3A = tpu.sem_alloc : memref<!tpu.dma_semaphore, #tpu.memory_space<semaphore_mem>>
          %dma_start3A_87 = tpu.memref_slice %arg2[%add3A_79] : memref<320000xi32, #tpu.memory_space<hbm>> -> memref<200xi32, #tpu.memory_space<hbm>>
          %dma_start3A_88 = tpu.memref_slice %arg2[%add3A_79] : memref<320000xi32, #tpu.memory_space<hbm>> -> memref<200xi32, #tpu.memory_space<hbm>>
          tpu.enqueue_dma source(%dma_start3A_88 : memref<200xi32, #tpu.memory_space<hbm>>) target(%arg12 : memref<200xi32, #tpu.memory_space<vmem>>) target_semaphore(%run_scoped3A : memref<!tpu.dma_semaphore, #tpu.memory_space<semaphore_mem>>)
          %dma_wait3A_89 = tpu.memref_slice %arg2[%add3A_79] : memref<320000xi32, #tpu.memory_space<hbm>> -> memref<200xi32, #tpu.memory_space<hbm>>
          %dma_wait3A_90 = tpu.memref_slice %arg2[%add3A_79] : memref<320000xi32, #tpu.memory_space<hbm>> -> memref<200xi32, #tpu.memory_space<hbm>>
          tpu.wait_dma2 semaphore(%run_scoped3A : memref<!tpu.dma_semaphore, #tpu.memory_space<semaphore_mem>>) src(%dma_wait3A_90 : memref<200xi32, #tpu.memory_space<hbm>>) dst(%arg12 : memref<200xi32, #tpu.memory_space<vmem>>)
          tpu.yield
        }) : () -> ()
        "tpu.region"() ({
          %run_scoped3A = tpu.sem_alloc : memref<!tpu.dma_semaphore, #tpu.memory_space<semaphore_mem>>
          %dma_start3A_87 = tpu.memref_slice %arg3[%add3A_79] : memref<320000xi32, #tpu.memory_space<hbm>> -> memref<200xi32, #tpu.memory_space<hbm>>
          %dma_start3A_88 = tpu.memref_slice %arg3[%add3A_79] : memref<320000xi32, #tpu.memory_space<hbm>> -> memref<200xi32, #tpu.memory_space<hbm>>
          tpu.enqueue_dma source(%dma_start3A_88 : memref<200xi32, #tpu.memory_space<hbm>>) target(%arg13 : memref<200xi32, #tpu.memory_space<vmem>>) target_semaphore(%run_scoped3A : memref<!tpu.dma_semaphore, #tpu.memory_space<semaphore_mem>>)
          %dma_wait3A_89 = tpu.memref_slice %arg3[%add3A_79] : memref<320000xi32, #tpu.memory_space<hbm>> -> memref<200xi32, #tpu.memory_space<hbm>>
          %dma_wait3A_90 = tpu.memref_slice %arg3[%add3A_79] : memref<320000xi32, #tpu.memory_space<hbm>> -> memref<200xi32, #tpu.memory_space<hbm>>
          tpu.wait_dma2 semaphore(%run_scoped3A : memref<!tpu.dma_semaphore, #tpu.memory_space<semaphore_mem>>) src(%dma_wait3A_90 : memref<200xi32, #tpu.memory_space<hbm>>) dst(%arg13 : memref<200xi32, #tpu.memory_space<vmem>>)
          tpu.yield
        }) : () -> ()
        %dma_start3A_84 = arith.constant 0 : i32
        %dma_start3A_85 = arith.constant 0 : i32
        %dma_start3A_86 = tpu.memref_slice %arg4[%dma_start3A_84, %dma_start3A_85] : memref<10000x128xf32, #tpu.memory_space<hbm>> -> memref<10000x128xf32, #tpu.memory_space<hbm>>
        tpu.enqueue_indirect_dma source(%dma_start3A_86 : memref<10000x128xf32, #tpu.memory_space<hbm>>) target(%arg14 : memref<200x128xf32, #tpu.memory_space<vmem>>) offsets(%arg12 : memref<200xi32, #tpu.memory_space<vmem>>) semaphore(%arg15 : memref<!tpu.dma_semaphore, #tpu.memory_space<semaphore_mem>>)
      } else {
      }
      %dma_wait3A_38 = arith.constant 0 : i32
      %dma_wait3A_39 = arith.constant 0 : i32
      %dma_wait3A_40 = tpu.memref_slice %arg5[%dma_wait3A_38, %dma_wait3A_39] : memref<10000x128xf32, #tpu.memory_space<hbm>> -> memref<10000x128xf32, #tpu.memory_space<hbm>>
      tpu.wait_indirect_dma semaphore(%arg10 : memref<!tpu.dma_semaphore, #tpu.memory_space<semaphore_mem>>) src(%dma_wait3A_40 : memref<10000x128xf32, #tpu.memory_space<hbm>>) dst(%arg9 : memref<200x128xf32, #tpu.memory_space<vmem>>)
      %dma_start3A_41 = arith.constant 0 : i32
      %dma_start3A_42 = tpu.memref_slice %arg6[%add3A_24, %dma_start3A_41] : memref<320000x128xf32, #tpu.memory_space<hbm>> -> memref<200x128xf32, #tpu.memory_space<hbm>>
      %dma_start3A_43 = arith.constant 0 : i32
      %dma_start3A_44 = tpu.memref_slice %arg6[%add3A_24, %dma_start3A_43] : memref<320000x128xf32, #tpu.memory_space<hbm>> -> memref<200x128xf32, #tpu.memory_space<hbm>>
      tpu.enqueue_dma source(%arg9 : memref<200x128xf32, #tpu.memory_space<vmem>>) target(%dma_start3A_44 : memref<200x128xf32, #tpu.memory_space<hbm>>) target_semaphore(%arg11 : memref<!tpu.dma_semaphore, #tpu.memory_space<semaphore_mem>>)
      %mul3A_45 = arith.constant 2 : i32
      %mul3A_46 = arith.muli %mul3A_45, %scan3A_19 : i32
      %add3A_47 = arith.constant 1 : i32
      %add3A_48 = arith.addi %mul3A_46, %add3A_47 : i32
      %mul3A_49 = arith.constant 200 : i32
      %mul3A_50 = arith.muli %add3A_48, %mul3A_49 : i32
      %add3A_51 = arith.addi %mul3A_2, %mul3A_50 : i32
      %dma_wait3A_52 = arith.constant 0 : i32
      %dma_wait3A_53 = arith.constant 0 : i32
      %dma_wait3A_54 = tpu.memref_slice %arg4[%dma_wait3A_52, %dma_wait3A_53] : memref<10000x128xf32, #tpu.memory_space<hbm>> -> memref<200x128xf32, #tpu.memory_space<hbm>>
      %dma_wait3A_55 = arith.constant 0 : i32
      %dma_wait3A_56 = arith.constant 0 : i32
      %dma_wait3A_57 = tpu.memref_slice %arg4[%dma_wait3A_55, %dma_wait3A_56] : memref<10000x128xf32, #tpu.memory_space<hbm>> -> memref<200x128xf32, #tpu.memory_space<hbm>>
      tpu.wait_dma2 semaphore(%arg15 : memref<!tpu.dma_semaphore, #tpu.memory_space<semaphore_mem>>) src(%dma_wait3A_57 : memref<200x128xf32, #tpu.memory_space<hbm>>) dst(%arg14 : memref<200x128xf32, #tpu.memory_space<vmem>>)
      %dma_start3A_58 = arith.constant 0 : i32
      %dma_start3A_59 = arith.constant 0 : i32
      %dma_start3A_60 = tpu.memref_slice %arg5[%dma_start3A_58, %dma_start3A_59] : memref<10000x128xf32, #tpu.memory_space<hbm>> -> memref<10000x128xf32, #tpu.memory_space<hbm>>
      tpu.enqueue_indirect_dma source(%dma_start3A_60 : memref<10000x128xf32, #tpu.memory_space<hbm>>) target(%arg14 : memref<200x128xf32, #tpu.memory_space<vmem>>) offsets(%arg13 : memref<200xi32, #tpu.memory_space<vmem>>) semaphore(%arg15 : memref<!tpu.dma_semaphore, #tpu.memory_space<semaphore_mem>>) {add = true}
      %add3A_61 = arith.constant 1 : i32
      %add3A_62 = arith.addi %add3A_48, %add3A_61 : i32
      %lt3A_63 = arith.constant 50 : i32
      %lt3A_64 = arith.cmpi slt, %add3A_62, %lt3A_63 : i32
      %convert_element_type3A_65 = arith.extui %lt3A_64 : i1 to i32
      %cond3A_66 = arith.constant 0 : i32
      %cond3A_67 = arith.cmpi ne, %convert_element_type3A_65, %cond3A_66 : i32
      scf.if %cond3A_67 {
        %add3A_75 = arith.constant 1 : i32
        %add3A_76 = arith.addi %add3A_48, %add3A_75 : i32
        %mul3A_77 = arith.constant 200 : i32
        %mul3A_78 = arith.muli %add3A_76, %mul3A_77 : i32
        %add3A_79 = arith.addi %mul3A_2, %mul3A_78 : i32
        %ge3A = arith.constant 2 : i32
        %ge3A_80 = arith.cmpi sge, %add3A_76, %ge3A : i32
        %convert_element_type3A_81 = arith.extui %ge3A_80 : i1 to i32
        %cond3A_82 = arith.constant 0 : i32
        %cond3A_83 = arith.cmpi ne, %convert_element_type3A_81, %cond3A_82 : i32
        scf.if %cond3A_83 {
          %dma_wait3A_87 = arith.constant 0 : i32
          %dma_wait3A_88 = tpu.memref_slice %arg6[%add3A_79, %dma_wait3A_87] : memref<320000x128xf32, #tpu.memory_space<hbm>> -> memref<200x128xf32, #tpu.memory_space<hbm>>
          %dma_wait3A_89 = arith.constant 0 : i32
          %dma_wait3A_90 = tpu.memref_slice %arg6[%add3A_79, %dma_wait3A_89] : memref<320000x128xf32, #tpu.memory_space<hbm>> -> memref<200x128xf32, #tpu.memory_space<hbm>>
          tpu.wait_dma2 semaphore(%arg11 : memref<!tpu.dma_semaphore, #tpu.memory_space<semaphore_mem>>) src(%arg9 : memref<200x128xf32, #tpu.memory_space<vmem>>) dst(%dma_wait3A_90 : memref<200x128xf32, #tpu.memory_space<hbm>>)
        } else {
        }
        "tpu.region"() ({
          %run_scoped3A = tpu.sem_alloc : memref<!tpu.dma_semaphore, #tpu.memory_space<semaphore_mem>>
          %dma_start3A_87 = tpu.memref_slice %arg2[%add3A_79] : memref<320000xi32, #tpu.memory_space<hbm>> -> memref<200xi32, #tpu.memory_space<hbm>>
          %dma_start3A_88 = tpu.memref_slice %arg2[%add3A_79] : memref<320000xi32, #tpu.memory_space<hbm>> -> memref<200xi32, #tpu.memory_space<hbm>>
          tpu.enqueue_dma source(%dma_start3A_88 : memref<200xi32, #tpu.memory_space<hbm>>) target(%arg7 : memref<200xi32, #tpu.memory_space<vmem>>) target_semaphore(%run_scoped3A : memref<!tpu.dma_semaphore, #tpu.memory_space<semaphore_mem>>)
          %dma_wait3A_89 = tpu.memref_slice %arg2[%add3A_79] : memref<320000xi32, #tpu.memory_space<hbm>> -> memref<200xi32, #tpu.memory_space<hbm>>
          %dma_wait3A_90 = tpu.memref_slice %arg2[%add3A_79] : memref<320000xi32, #tpu.memory_space<hbm>> -> memref<200xi32, #tpu.memory_space<hbm>>
          tpu.wait_dma2 semaphore(%run_scoped3A : memref<!tpu.dma_semaphore, #tpu.memory_space<semaphore_mem>>) src(%dma_wait3A_90 : memref<200xi32, #tpu.memory_space<hbm>>) dst(%arg7 : memref<200xi32, #tpu.memory_space<vmem>>)
          tpu.yield
        }) : () -> ()
        "tpu.region"() ({
          %run_scoped3A = tpu.sem_alloc : memref<!tpu.dma_semaphore, #tpu.memory_space<semaphore_mem>>
          %dma_start3A_87 = tpu.memref_slice %arg3[%add3A_79] : memref<320000xi32, #tpu.memory_space<hbm>> -> memref<200xi32, #tpu.memory_space<hbm>>
          %dma_start3A_88 = tpu.memref_slice %arg3[%add3A_79] : memref<320000xi32, #tpu.memory_space<hbm>> -> memref<200xi32, #tpu.memory_space<hbm>>
          tpu.enqueue_dma source(%dma_start3A_88 : memref<200xi32, #tpu.memory_space<hbm>>) target(%arg8 : memref<200xi32, #tpu.memory_space<vmem>>) target_semaphore(%run_scoped3A : memref<!tpu.dma_semaphore, #tpu.memory_space<semaphore_mem>>)
          %dma_wait3A_89 = tpu.memref_slice %arg3[%add3A_79] : memref<320000xi32, #tpu.memory_space<hbm>> -> memref<200xi32, #tpu.memory_space<hbm>>
          %dma_wait3A_90 = tpu.memref_slice %arg3[%add3A_79] : memref<320000xi32, #tpu.memory_space<hbm>> -> memref<200xi32, #tpu.memory_space<hbm>>
          tpu.wait_dma2 semaphore(%run_scoped3A : memref<!tpu.dma_semaphore, #tpu.memory_space<semaphore_mem>>) src(%dma_wait3A_90 : memref<200xi32, #tpu.memory_space<hbm>>) dst(%arg8 : memref<200xi32, #tpu.memory_space<vmem>>)
          tpu.yield
        }) : () -> ()
        %dma_start3A_84 = arith.constant 0 : i32
        %dma_start3A_85 = arith.constant 0 : i32
        %dma_start3A_86 = tpu.memref_slice %arg4[%dma_start3A_84, %dma_start3A_85] : memref<10000x128xf32, #tpu.memory_space<hbm>> -> memref<10000x128xf32, #tpu.memory_space<hbm>>
        tpu.enqueue_indirect_dma source(%dma_start3A_86 : memref<10000x128xf32, #tpu.memory_space<hbm>>) target(%arg9 : memref<200x128xf32, #tpu.memory_space<vmem>>) offsets(%arg7 : memref<200xi32, #tpu.memory_space<vmem>>) semaphore(%arg10 : memref<!tpu.dma_semaphore, #tpu.memory_space<semaphore_mem>>)
      } else {
      }
      %dma_wait3A_68 = arith.constant 0 : i32
      %dma_wait3A_69 = arith.constant 0 : i32
      %dma_wait3A_70 = tpu.memref_slice %arg5[%dma_wait3A_68, %dma_wait3A_69] : memref<10000x128xf32, #tpu.memory_space<hbm>> -> memref<10000x128xf32, #tpu.memory_space<hbm>>
      tpu.wait_indirect_dma semaphore(%arg15 : memref<!tpu.dma_semaphore, #tpu.memory_space<semaphore_mem>>) src(%dma_wait3A_70 : memref<10000x128xf32, #tpu.memory_space<hbm>>) dst(%arg14 : memref<200x128xf32, #tpu.memory_space<vmem>>)
      %dma_start3A_71 = arith.constant 0 : i32
      %dma_start3A_72 = tpu.memref_slice %arg6[%add3A_51, %dma_start3A_71] : memref<320000x128xf32, #tpu.memory_space<hbm>> -> memref<200x128xf32, #tpu.memory_space<hbm>>
      %dma_start3A_73 = arith.constant 0 : i32
      %dma_start3A_74 = tpu.memref_slice %arg6[%add3A_51, %dma_start3A_73] : memref<320000x128xf32, #tpu.memory_space<hbm>> -> memref<200x128xf32, #tpu.memory_space<hbm>>
      tpu.enqueue_dma source(%arg14 : memref<200x128xf32, #tpu.memory_space<vmem>>) target(%dma_start3A_74 : memref<200x128xf32, #tpu.memory_space<hbm>>) target_semaphore(%arg16 : memref<!tpu.dma_semaphore, #tpu.memory_space<semaphore_mem>>)
    }
    %scan3A_11 = arith.constant 25 : i32
    %dma_wait3A = arith.constant 0 : i32
    %dma_wait3A_12 = tpu.memref_slice %arg6[%mul3A_2, %dma_wait3A] : memref<320000x128xf32, #tpu.memory_space<hbm>> -> memref<200x128xf32, #tpu.memory_space<hbm>>
    %dma_wait3A_13 = arith.constant 0 : i32
    %dma_wait3A_14 = tpu.memref_slice %arg6[%mul3A_2, %dma_wait3A_13] : memref<320000x128xf32, #tpu.memory_space<hbm>> -> memref<200x128xf32, #tpu.memory_space<hbm>>
    tpu.wait_dma2 semaphore(%arg11 : memref<!tpu.dma_semaphore, #tpu.memory_space<semaphore_mem>>) src(%arg9 : memref<200x128xf32, #tpu.memory_space<vmem>>) dst(%dma_wait3A_14 : memref<200x128xf32, #tpu.memory_space<hbm>>)
    %dma_wait3A_15 = arith.constant 0 : i32
    %dma_wait3A_16 = tpu.memref_slice %arg6[%mul3A_2, %dma_wait3A_15] : memref<320000x128xf32, #tpu.memory_space<hbm>> -> memref<200x128xf32, #tpu.memory_space<hbm>>
    %dma_wait3A_17 = arith.constant 0 : i32
    %dma_wait3A_18 = tpu.memref_slice %arg6[%mul3A_2, %dma_wait3A_17] : memref<320000x128xf32, #tpu.memory_space<hbm>> -> memref<200x128xf32, #tpu.memory_space<hbm>>
    tpu.wait_dma2 semaphore(%arg16 : memref<!tpu.dma_semaphore, #tpu.memory_space<semaphore_mem>>) src(%arg14 : memref<200x128xf32, #tpu.memory_space<vmem>>) dst(%dma_wait3A_18 : memref<200x128xf32, #tpu.memory_space<hbm>>)
    return
  }
}

module attributes {stable_mosaic.version = 14 : i64} {
  func.func @_node_tables_body(%arg0: i32, %arg1: memref<2000x128xf32, #tpu.memory_space<vmem>>, %arg2: memref<128x128xf32, #tpu.memory_space<vmem>>, %arg3: memref<1x128xf32, #tpu.memory_space<vmem>>, %arg4: memref<128x128xf32, #tpu.memory_space<vmem>>, %arg5: memref<1x128xf32, #tpu.memory_space<vmem>>, %arg6: memref<128x128xf32, #tpu.memory_space<vmem>>, %arg7: memref<1x128xf32, #tpu.memory_space<vmem>>, %arg8: memref<384x128xf32, #tpu.memory_space<vmem>>, %arg9: memref<384x128xf32, #tpu.memory_space<vmem>>, %arg10: memref<2000x128xf32, #tpu.memory_space<vmem>>, %arg11: memref<2000x128xf32, #tpu.memory_space<vmem>>, %arg12: memref<2000x128xf32, #tpu.memory_space<vmem>>, %arg13: memref<2000x128xf32, #tpu.memory_space<vmem>>, %arg14: memref<2000x128xf32, #tpu.memory_space<vmem>>) attributes {dimension_semantics = [#tpu.dimension_semantics<arbitrary>], iteration_bounds = array<i64: 5>, scalar_prefetch = 0 : i64, scratch_operands = 0 : i64, tpu.core_type = #tpu.core_type<tc>, window_params = [{transform_indices = @transform_0, window_bounds = array<i64: 2000, 128>}, {pipeline_mode = #tpu.pipeline_mode<synchronous>, transform_indices = @transform_1, window_bounds = array<i64: 128, 128>}, {pipeline_mode = #tpu.pipeline_mode<synchronous>, transform_indices = @transform_2, window_bounds = array<i64: 1, 128>}, {pipeline_mode = #tpu.pipeline_mode<synchronous>, transform_indices = @transform_3, window_bounds = array<i64: 128, 128>}, {pipeline_mode = #tpu.pipeline_mode<synchronous>, transform_indices = @transform_4, window_bounds = array<i64: 1, 128>}, {pipeline_mode = #tpu.pipeline_mode<synchronous>, transform_indices = @transform_5, window_bounds = array<i64: 128, 128>}, {pipeline_mode = #tpu.pipeline_mode<synchronous>, transform_indices = @transform_6, window_bounds = array<i64: 1, 128>}, {pipeline_mode = #tpu.pipeline_mode<synchronous>, transform_indices = @transform_7, window_bounds = array<i64: 384, 128>}, {pipeline_mode = #tpu.pipeline_mode<synchronous>, transform_indices = @transform_8, window_bounds = array<i64: 384, 128>}, {transform_indices = @transform_9, window_bounds = array<i64: 2000, 128>}, {transform_indices = @transform_10, window_bounds = array<i64: 2000, 128>}, {transform_indices = @transform_11, window_bounds = array<i64: 2000, 128>}, {transform_indices = @transform_12, window_bounds = array<i64: 2000, 128>}, {transform_indices = @transform_13, window_bounds = array<i64: 2000, 128>}]} {
    %get3A = arith.constant 0 : index
    %get3A_0 = arith.constant 0 : index
    %get3A_1 = vector.load %arg1[%get3A, %get3A_0] : memref<2000x128xf32, #tpu.memory_space<vmem>>, vector<2000x128xf32>
    %get3A_2 = arith.constant 0 : index
    %get3A_3 = arith.constant 0 : index
    %get3A_4 = vector.load %arg2[%get3A_2, %get3A_3] : memref<128x128xf32, #tpu.memory_space<vmem>>, vector<128x128xf32>
    %dot_general3A = arith.constant dense<0.000000e+00> : vector<2000x128xf32>
    %dot_general3A_5 = tpu.matmul %get3A_1, %get3A_4, %dot_general3A {dimension_numbers = #tpu.dot_dimension_numbers<[1], [0], [0], [1], [0, 0, 1, 1], [], []>, transpose_lhs_hint = false} : vector<2000x128xf32>, vector<128x128xf32>, vector<2000x128xf32> -> vector<2000x128xf32>
    %get3A_6 = arith.constant 0 : index
    %get3A_7 = arith.constant 0 : index
    %get3A_8 = vector.load %arg3[%get3A_6, %get3A_7] : memref<1x128xf32, #tpu.memory_space<vmem>>, vector<1x128xf32>
    %add3A = vector.broadcast %get3A_8 : vector<1x128xf32> to vector<2000x128xf32>
    %add3A_9 = arith.addf %dot_general3A_5, %add3A : vector<2000x128xf32>
    %get3A_10 = arith.constant 0 : index
    %get3A_11 = arith.constant 0 : index
    %get3A_12 = vector.load %arg4[%get3A_10, %get3A_11] : memref<128x128xf32, #tpu.memory_space<vmem>>, vector<128x128xf32>
    %dot_general3A_13 = arith.constant dense<0.000000e+00> : vector<2000x128xf32>
    %dot_general3A_14 = tpu.matmul %get3A_1, %get3A_12, %dot_general3A_13 {dimension_numbers = #tpu.dot_dimension_numbers<[1], [0], [0], [1], [0, 0, 1, 1], [], []>, transpose_lhs_hint = false} : vector<2000x128xf32>, vector<128x128xf32>, vector<2000x128xf32> -> vector<2000x128xf32>
    %get3A_15 = arith.constant 0 : index
    %get3A_16 = arith.constant 0 : index
    %get3A_17 = vector.load %arg5[%get3A_15, %get3A_16] : memref<1x128xf32, #tpu.memory_space<vmem>>, vector<1x128xf32>
    %add3A_18 = vector.broadcast %get3A_17 : vector<1x128xf32> to vector<2000x128xf32>
    %add3A_19 = arith.addf %dot_general3A_14, %add3A_18 : vector<2000x128xf32>
    %get3A_20 = arith.constant 0 : index
    %get3A_21 = arith.constant 0 : index
    %get3A_22 = vector.load %arg6[%get3A_20, %get3A_21] : memref<128x128xf32, #tpu.memory_space<vmem>>, vector<128x128xf32>
    %dot_general3A_23 = arith.constant dense<0.000000e+00> : vector<2000x128xf32>
    %dot_general3A_24 = tpu.matmul %get3A_1, %get3A_22, %dot_general3A_23 {dimension_numbers = #tpu.dot_dimension_numbers<[1], [0], [0], [1], [0, 0, 1, 1], [], []>, transpose_lhs_hint = false} : vector<2000x128xf32>, vector<128x128xf32>, vector<2000x128xf32> -> vector<2000x128xf32>
    %get3A_25 = arith.constant 0 : index
    %get3A_26 = arith.constant 0 : index
    %get3A_27 = vector.load %arg7[%get3A_25, %get3A_26] : memref<1x128xf32, #tpu.memory_space<vmem>>, vector<1x128xf32>
    %add3A_28 = vector.broadcast %get3A_27 : vector<1x128xf32> to vector<2000x128xf32>
    %add3A_29 = arith.addf %dot_general3A_24, %add3A_28 : vector<2000x128xf32>
    %swap3A = arith.constant 0 : index
    %swap3A_30 = arith.constant 0 : index
    %swap3A_31 = vector.load %arg10[%swap3A, %swap3A_30] : memref<2000x128xf32, #tpu.memory_space<vmem>>, vector<2000x128xf32>
    tpu.vector_store %arg10[%swap3A, %swap3A_30], %add3A_9 {strides = array<i32>} : memref<2000x128xf32, #tpu.memory_space<vmem>>, vector<2000x128xf32>,
    %get3A_32 = arith.constant 0 : index
    %get3A_33 = arith.constant 0 : index
    %get3A_34 = vector.load %arg8[%get3A_32, %get3A_33] : memref<384x128xf32, #tpu.memory_space<vmem>>, vector<128x128xf32>
    %dot_general3A_35 = arith.constant dense<0.000000e+00> : vector<2000x128xf32>
    %dot_general3A_36 = tpu.matmul %add3A_19, %get3A_34, %dot_general3A_35 {dimension_numbers = #tpu.dot_dimension_numbers<[1], [0], [0], [1], [0, 0, 1, 1], [], []>, transpose_lhs_hint = false} : vector<2000x128xf32>, vector<128x128xf32>, vector<2000x128xf32> -> vector<2000x128xf32>
    %swap3A_37 = arith.constant 0 : index
    %swap3A_38 = arith.constant 0 : index
    %swap3A_39 = vector.load %arg11[%swap3A_37, %swap3A_38] : memref<2000x128xf32, #tpu.memory_space<vmem>>, vector<2000x128xf32>
    tpu.vector_store %arg11[%swap3A_37, %swap3A_38], %dot_general3A_36 {strides = array<i32>} : memref<2000x128xf32, #tpu.memory_space<vmem>>, vector<2000x128xf32>,
    %get3A_40 = arith.constant 128 : index
    %get3A_41 = arith.constant 0 : index
    %get3A_42 = vector.load %arg8[%get3A_40, %get3A_41] : memref<384x128xf32, #tpu.memory_space<vmem>>, vector<128x128xf32>
    %dot_general3A_43 = arith.constant dense<0.000000e+00> : vector<2000x128xf32>
    %dot_general3A_44 = tpu.matmul %add3A_19, %get3A_42, %dot_general3A_43 {dimension_numbers = #tpu.dot_dimension_numbers<[1], [0], [0], [1], [0, 0, 1, 1], [], []>, transpose_lhs_hint = false} : vector<2000x128xf32>, vector<128x128xf32>, vector<2000x128xf32> -> vector<2000x128xf32>
    %swap3A_45 = arith.constant 0 : index
    %swap3A_46 = arith.constant 0 : index
    %swap3A_47 = vector.load %arg12[%swap3A_45, %swap3A_46] : memref<2000x128xf32, #tpu.memory_space<vmem>>, vector<2000x128xf32>
    tpu.vector_store %arg12[%swap3A_45, %swap3A_46], %dot_general3A_44 {strides = array<i32>} : memref<2000x128xf32, #tpu.memory_space<vmem>>, vector<2000x128xf32>,
    %get3A_48 = arith.constant 0 : index
    %get3A_49 = arith.constant 0 : index
    %get3A_50 = vector.load %arg9[%get3A_48, %get3A_49] : memref<384x128xf32, #tpu.memory_space<vmem>>, vector<128x128xf32>
    %dot_general3A_51 = arith.constant dense<0.000000e+00> : vector<2000x128xf32>
    %dot_general3A_52 = tpu.matmul %add3A_29, %get3A_50, %dot_general3A_51 {dimension_numbers = #tpu.dot_dimension_numbers<[1], [0], [0], [1], [0, 0, 1, 1], [], []>, transpose_lhs_hint = false} : vector<2000x128xf32>, vector<128x128xf32>, vector<2000x128xf32> -> vector<2000x128xf32>
    %swap3A_53 = arith.constant 0 : index
    %swap3A_54 = arith.constant 0 : index
    %swap3A_55 = vector.load %arg13[%swap3A_53, %swap3A_54] : memref<2000x128xf32, #tpu.memory_space<vmem>>, vector<2000x128xf32>
    tpu.vector_store %arg13[%swap3A_53, %swap3A_54], %dot_general3A_52 {strides = array<i32>} : memref<2000x128xf32, #tpu.memory_space<vmem>>, vector<2000x128xf32>,
    %get3A_56 = arith.constant 128 : index
    %get3A_57 = arith.constant 0 : index
    %get3A_58 = vector.load %arg9[%get3A_56, %get3A_57] : memref<384x128xf32, #tpu.memory_space<vmem>>, vector<128x128xf32>
    %dot_general3A_59 = arith.constant dense<0.000000e+00> : vector<2000x128xf32>
    %dot_general3A_60 = tpu.matmul %add3A_29, %get3A_58, %dot_general3A_59 {dimension_numbers = #tpu.dot_dimension_numbers<[1], [0], [0], [1], [0, 0, 1, 1], [], []>, transpose_lhs_hint = false} : vector<2000x128xf32>, vector<128x128xf32>, vector<2000x128xf32> -> vector<2000x128xf32>
    %swap3A_61 = arith.constant 0 : index
    %swap3A_62 = arith.constant 0 : index
    %swap3A_63 = vector.load %arg14[%swap3A_61, %swap3A_62] : memref<2000x128xf32, #tpu.memory_space<vmem>>, vector<2000x128xf32>
    tpu.vector_store %arg14[%swap3A_61, %swap3A_62], %dot_general3A_60 {strides = array<i32>} : memref<2000x128xf32, #tpu.memory_space<vmem>>, vector<2000x128xf32>,
    return
  }
  func.func @transform_0(%arg0: i32) -> (i32, i32) {
    %c0_i32 = arith.constant 0 : i32
    %c0_i32_0 = arith.constant 0 : i32
    return %arg0, %c0_i32 : i32, i32
  }
  func.func @transform_1(%arg0: i32) -> (i32, i32) {
    %c0_i32 = arith.constant 0 : i32
    %c0_i32_0 = arith.constant 0 : i32
    %c0_i32_1 = arith.constant 0 : i32
    return %c0_i32, %c0_i32_0 : i32, i32
  }
  func.func @transform_2(%arg0: i32) -> (i32, i32) {
    %c0_i32 = arith.constant 0 : i32
    %c0_i32_0 = arith.constant 0 : i32
    %c0_i32_1 = arith.constant 0 : i32
    return %c0_i32, %c0_i32_0 : i32, i32
  }
  func.func @transform_3(%arg0: i32) -> (i32, i32) {
    %c0_i32 = arith.constant 0 : i32
    %c0_i32_0 = arith.constant 0 : i32
    %c0_i32_1 = arith.constant 0 : i32
    return %c0_i32, %c0_i32_0 : i32, i32
  }
  func.func @transform_4(%arg0: i32) -> (i32, i32) {
    %c0_i32 = arith.constant 0 : i32
    %c0_i32_0 = arith.constant 0 : i32
    %c0_i32_1 = arith.constant 0 : i32
    return %c0_i32, %c0_i32_0 : i32, i32
  }
  func.func @transform_5(%arg0: i32) -> (i32, i32) {
    %c0_i32 = arith.constant 0 : i32
    %c0_i32_0 = arith.constant 0 : i32
    %c0_i32_1 = arith.constant 0 : i32
    return %c0_i32, %c0_i32_0 : i32, i32
  }
  func.func @transform_6(%arg0: i32) -> (i32, i32) {
    %c0_i32 = arith.constant 0 : i32
    %c0_i32_0 = arith.constant 0 : i32
    %c0_i32_1 = arith.constant 0 : i32
    return %c0_i32, %c0_i32_0 : i32, i32
  }
  func.func @transform_7(%arg0: i32) -> (i32, i32) {
    %c0_i32 = arith.constant 0 : i32
    %c0_i32_0 = arith.constant 0 : i32
    %c0_i32_1 = arith.constant 0 : i32
    return %c0_i32, %c0_i32_0 : i32, i32
  }
  func.func @transform_8(%arg0: i32) -> (i32, i32) {
    %c0_i32 = arith.constant 0 : i32
    %c0_i32_0 = arith.constant 0 : i32
    %c0_i32_1 = arith.constant 0 : i32
    return %c0_i32, %c0_i32_0 : i32, i32
  }
  func.func @transform_9(%arg0: i32) -> (i32, i32) {
    %c0_i32 = arith.constant 0 : i32
    %c0_i32_0 = arith.constant 0 : i32
    return %arg0, %c0_i32 : i32, i32
  }
  func.func @transform_10(%arg0: i32) -> (i32, i32) {
    %c0_i32 = arith.constant 0 : i32
    %c0_i32_0 = arith.constant 0 : i32
    return %arg0, %c0_i32 : i32, i32
  }
  func.func @transform_11(%arg0: i32) -> (i32, i32) {
    %c0_i32 = arith.constant 0 : i32
    %c0_i32_0 = arith.constant 0 : i32
    return %arg0, %c0_i32 : i32, i32
  }
  func.func @transform_12(%arg0: i32) -> (i32, i32) {
    %c0_i32 = arith.constant 0 : i32
    %c0_i32_0 = arith.constant 0 : i32
    return %arg0, %c0_i32 : i32, i32
  }
  func.func @transform_13(%arg0: i32) -> (i32, i32) {
    %c0_i32 = arith.constant 0 : i32
    %c0_i32_0 = arith.constant 0 : i32
    return %arg0, %c0_i32 : i32, i32
  }
}

module attributes {stable_mosaic.version = 14 : i64} {
  func.func @_pass1_body(%arg0: i32, %arg1: memref<3200x128xf32, #tpu.memory_space<vmem>>, %arg2: memref<3200x128xf32, #tpu.memory_space<vmem>>, %arg3: memref<16x3200xf32, #tpu.memory_space<vmem>>, %arg4: memref<16x128xf32, #tpu.memory_space<vmem>>, %arg5: memref<1x128xf32, #tpu.memory_space<vmem>>, %arg6: memref<128x128xf32, #tpu.memory_space<vmem>>, %arg7: memref<1x128xf32, #tpu.memory_space<vmem>>, %arg8: memref<3200x128xbf16, #tpu.memory_space<vmem>>, %arg9: memref<8x128xf32, #tpu.memory_space<vmem>>) attributes {dimension_semantics = [#tpu.dimension_semantics<arbitrary>], iteration_bounds = array<i64: 100>, scalar_prefetch = 0 : i64, scratch_operands = 0 : i64, tpu.core_type = #tpu.core_type<tc>, window_params = [{transform_indices = @transform_0, window_bounds = array<i64: 3200, 128>}, {transform_indices = @transform_1, window_bounds = array<i64: 3200, 128>}, {transform_indices = @transform_2, window_bounds = array<i64: 16, 3200>}, {pipeline_mode = #tpu.pipeline_mode<synchronous>, transform_indices = @transform_3, window_bounds = array<i64: 16, 128>}, {pipeline_mode = #tpu.pipeline_mode<synchronous>, transform_indices = @transform_4, window_bounds = array<i64: 1, 128>}, {pipeline_mode = #tpu.pipeline_mode<synchronous>, transform_indices = @transform_5, window_bounds = array<i64: 128, 128>}, {pipeline_mode = #tpu.pipeline_mode<synchronous>, transform_indices = @transform_6, window_bounds = array<i64: 1, 128>}, {transform_indices = @transform_7, window_bounds = array<i64: 3200, 128>}, {pipeline_mode = #tpu.pipeline_mode<synchronous>, transform_indices = @transform_8, window_bounds = array<i64: 8, 128>}]} {
    %get3A = arith.constant 0 : index
    %get3A_0 = arith.constant 0 : index
    %get3A_1 = vector.load %arg3[%get3A, %get3A_0] : memref<16x3200xf32, #tpu.memory_space<vmem>>, vector<16x3200xf32>
    %get3A_2 = arith.constant 0 : index
    %get3A_3 = arith.constant 0 : index
    %get3A_4 = vector.load %arg4[%get3A_2, %get3A_3] : memref<16x128xf32, #tpu.memory_space<vmem>>, vector<16x128xf32>
    %dot_general3A = arith.constant dense<0.000000e+00> : vector<3200x128xf32>
    %dot_general3A_5 = tpu.matmul %get3A_1, %get3A_4, %dot_general3A {dimension_numbers = #tpu.dot_dimension_numbers<[0], [0], [1], [1], [0, 1, 1, 1], [], []>, transpose_lhs_hint = false} : vector<16x3200xf32>, vector<16x128xf32>, vector<3200x128xf32> -> vector<3200x128xf32>
    %get3A_6 = arith.constant 0 : index
    %get3A_7 = arith.constant 0 : index
    %get3A_8 = vector.load %arg1[%get3A_6, %get3A_7] : memref<3200x128xf32, #tpu.memory_space<vmem>>, vector<3200x128xf32>
    %add3A = arith.addf %get3A_8, %dot_general3A_5 : vector<3200x128xf32>
    %get3A_9 = arith.constant 0 : index
    %get3A_10 = arith.constant 0 : index
    %get3A_11 = vector.load %arg5[%get3A_9, %get3A_10] : memref<1x128xf32, #tpu.memory_space<vmem>>, vector<1x128xf32>
    %add3A_12 = vector.broadcast %get3A_11 : vector<1x128xf32> to vector<3200x128xf32>
    %add3A_13 = arith.addf %add3A, %add3A_12 : vector<3200x128xf32>
    %neg3A = arith.constant 0.000000e+00 : f32
    %neg3A_14 = vector.broadcast %neg3A : f32 to vector<3200x128xf32>
    %neg3A_15 = arith.subf %neg3A_14, %add3A_13 : vector<3200x128xf32>
    %exp3A = math.exp %neg3A_15 : vector<3200x128xf32>
    %add3A_16 = arith.constant 1.000000e+00 : f32
    %add3A_17 = vector.broadcast %add3A_16 : f32 to vector<3200x128xf32>
    %add3A_18 = arith.addf %add3A_17, %exp3A : vector<3200x128xf32>
    %div3A = arith.constant 1.000000e+00 : f32
    %div3A_19 = vector.broadcast %div3A : f32 to vector<3200x128xf32>
    %div3A_20 = arith.divf %div3A_19, %add3A_18 : vector<3200x128xf32>
    %mul3A = arith.mulf %add3A_13, %div3A_20 : vector<3200x128xf32>
    %get3A_21 = arith.constant 0 : index
    %get3A_22 = arith.constant 0 : index
    %get3A_23 = vector.load %arg6[%get3A_21, %get3A_22] : memref<128x128xf32, #tpu.memory_space<vmem>>, vector<128x128xf32>
    %dot_general3A_24 = arith.constant dense<0.000000e+00> : vector<3200x128xf32>
    %dot_general3A_25 = tpu.matmul %mul3A, %get3A_23, %dot_general3A_24 {dimension_numbers = #tpu.dot_dimension_numbers<[1], [0], [0], [1], [0, 0, 1, 1], [], []>, transpose_lhs_hint = false} : vector<3200x128xf32>, vector<128x128xf32>, vector<3200x128xf32> -> vector<3200x128xf32>
    %get3A_26 = arith.constant 0 : index
    %get3A_27 = arith.constant 0 : index
    %get3A_28 = vector.load %arg7[%get3A_26, %get3A_27] : memref<1x128xf32, #tpu.memory_space<vmem>>, vector<1x128xf32>
    %add3A_29 = vector.broadcast %get3A_28 : vector<1x128xf32> to vector<3200x128xf32>
    %add3A_30 = arith.addf %dot_general3A_25, %add3A_29 : vector<3200x128xf32>
    %get3A_31 = arith.constant 0 : index
    %get3A_32 = arith.constant 0 : index
    %get3A_33 = vector.load %arg2[%get3A_31, %get3A_32] : memref<3200x128xf32, #tpu.memory_space<vmem>>, vector<3200x128xf32>
    %mul3A_34 = arith.mulf %get3A_33, %add3A_30 : vector<3200x128xf32>
    %mul3A_35 = arith.constant 0.0883883461 : f32
    %mul3A_36 = vector.broadcast %mul3A_35 : f32 to vector<3200x128xf32>
    %mul3A_37 = arith.mulf %mul3A_34, %mul3A_36 : vector<3200x128xf32>
    %convert_element_type3A = arith.truncf %mul3A_37 : vector<3200x128xf32> to vector<3200x128xbf16>
    %swap3A = arith.constant 0 : index
    %swap3A_38 = arith.constant 0 : index
    %swap3A_39 = vector.load %arg8[%swap3A, %swap3A_38] : memref<3200x128xbf16, #tpu.memory_space<vmem>>, vector<3200x128xbf16>
    tpu.vector_store %arg8[%swap3A, %swap3A_38], %convert_element_type3A {strides = array<i32>} : memref<3200x128xbf16, #tpu.memory_space<vmem>>, vector<3200x128xbf16>,
    %eq3A = arith.constant 0 : i32
    %eq3A_40 = arith.cmpi eq, %arg0, %eq3A : i32
    %convert_element_type3A_41 = arith.extui %eq3A_40 : i1 to i32
    %cond3A = arith.constant 0 : i32
    %cond3A_42 = arith.cmpi ne, %convert_element_type3A_41, %cond3A : i32
    scf.if %cond3A_42 {
      %broadcast_in_dim3A_62 = arith.constant 0.000000e+00 : f32
      %broadcast_in_dim3A_63 = vector.broadcast %broadcast_in_dim3A_62 : f32 to vector<8x128xf32>
      %swap3A_64 = arith.constant 0 : index
      %swap3A_65 = arith.constant 0 : index
      %swap3A_66 = vector.load %arg9[%swap3A_64, %swap3A_65] : memref<8x128xf32, #tpu.memory_space<vmem>>, vector<8x128xf32>
      tpu.vector_store %arg9[%swap3A_64, %swap3A_65], %broadcast_in_dim3A_63 {strides = array<i32>} : memref<8x128xf32, #tpu.memory_space<vmem>>, vector<8x128xf32>,
    } else {
    }
    %reduce_sum3A = arith.constant dense<0.000000e+00> : vector<128xf32>
    %reduce_sum3A_43 = vector.multi_reduction <add>, %mul3A_37, %reduce_sum3A [0] : vector<3200x128xf32> to vector<128xf32>
    %broadcast_in_dim3A = vector.shape_cast %reduce_sum3A_43 : vector<128xf32> to vector<1x128xf32>
    %mul3A_44 = arith.mulf %mul3A_37, %mul3A_37 : vector<3200x128xf32>
    %reduce_sum3A_45 = arith.constant dense<0.000000e+00> : vector<128xf32>
    %reduce_sum3A_46 = vector.multi_reduction <add>, %mul3A_44, %reduce_sum3A_45 [0] : vector<3200x128xf32> to vector<128xf32>
    %broadcast_in_dim3A_47 = vector.shape_cast %reduce_sum3A_46 : vector<128xf32> to vector<1x128xf32>
    %get3A_48 = arith.constant 0 : index
    %get3A_49 = arith.constant 0 : index
    %get3A_50 = vector.load %arg9[%get3A_48, %get3A_49] : memref<8x128xf32, #tpu.memory_space<vmem>>, vector<1x128xf32>
    %add3A_51 = arith.addf %get3A_50, %broadcast_in_dim3A : vector<1x128xf32>
    %swap3A_52 = arith.constant 0 : index
    %swap3A_53 = arith.constant 0 : index
    %swap3A_54 = vector.load %arg9[%swap3A_52, %swap3A_53] : memref<8x128xf32, #tpu.memory_space<vmem>>, vector<1x128xf32>
    tpu.vector_store %arg9[%swap3A_52, %swap3A_53], %add3A_51 {strides = array<i32>} : memref<8x128xf32, #tpu.memory_space<vmem>>, vector<1x128xf32>,
    %get3A_55 = arith.constant 1 : index
    %get3A_56 = arith.constant 0 : index
    %get3A_57 = vector.load %arg9[%get3A_55, %get3A_56] : memref<8x128xf32, #tpu.memory_space<vmem>>, vector<1x128xf32>
    %add3A_58 = arith.addf %get3A_57, %broadcast_in_dim3A_47 : vector<1x128xf32>
    %swap3A_59 = arith.constant 1 : index
    %swap3A_60 = arith.constant 0 : index
    %swap3A_61 = vector.load %arg9[%swap3A_59, %swap3A_60] : memref<8x128xf32, #tpu.memory_space<vmem>>, vector<1x128xf32>
    tpu.vector_store %arg9[%swap3A_59, %swap3A_60], %add3A_58 {strides = array<i32>} : memref<8x128xf32, #tpu.memory_space<vmem>>, vector<1x128xf32>,
    return
  }
  func.func @transform_0(%arg0: i32) -> (i32, i32) {
    %c0_i32 = arith.constant 0 : i32
    %c0_i32_0 = arith.constant 0 : i32
    return %arg0, %c0_i32 : i32, i32
  }
  func.func @transform_1(%arg0: i32) -> (i32, i32) {
    %c0_i32 = arith.constant 0 : i32
    %c0_i32_0 = arith.constant 0 : i32
    return %arg0, %c0_i32 : i32, i32
  }
  func.func @transform_2(%arg0: i32) -> (i32, i32) {
    %c0_i32 = arith.constant 0 : i32
    %c0_i32_0 = arith.constant 0 : i32
    return %c0_i32, %arg0 : i32, i32
  }
  func.func @transform_3(%arg0: i32) -> (i32, i32) {
    %c0_i32 = arith.constant 0 : i32
    %c0_i32_0 = arith.constant 0 : i32
    %c0_i32_1 = arith.constant 0 : i32
    return %c0_i32, %c0_i32_0 : i32, i32
  }
  func.func @transform_4(%arg0: i32) -> (i32, i32) {
    %c0_i32 = arith.constant 0 : i32
    %c0_i32_0 = arith.constant 0 : i32
    %c0_i32_1 = arith.constant 0 : i32
    return %c0_i32, %c0_i32_0 : i32, i32
  }
  func.func @transform_5(%arg0: i32) -> (i32, i32) {
    %c0_i32 = arith.constant 0 : i32
    %c0_i32_0 = arith.constant 0 : i32
    %c0_i32_1 = arith.constant 0 : i32
    return %c0_i32, %c0_i32_0 : i32, i32
  }
  func.func @transform_6(%arg0: i32) -> (i32, i32) {
    %c0_i32 = arith.constant 0 : i32
    %c0_i32_0 = arith.constant 0 : i32
    %c0_i32_1 = arith.constant 0 : i32
    return %c0_i32, %c0_i32_0 : i32, i32
  }
  func.func @transform_7(%arg0: i32) -> (i32, i32) {
    %c0_i32 = arith.constant 0 : i32
    %c0_i32_0 = arith.constant 0 : i32
    return %arg0, %c0_i32 : i32, i32
  }
  func.func @transform_8(%arg0: i32) -> (i32, i32) {
    %c0_i32 = arith.constant 0 : i32
    %c0_i32_0 = arith.constant 0 : i32
    %c0_i32_1 = arith.constant 0 : i32
    return %c0_i32, %c0_i32_0 : i32, i32
  }
}

module attributes {stable_mosaic.version = 14 : i64} {
  func.func @_pass2_body(%arg0: i32, %arg1: memref<3200x128xbf16, #tpu.memory_space<vmem>>, %arg2: memref<3200x128xf32, #tpu.memory_space<vmem>>, %arg3: memref<16x3200xf32, #tpu.memory_space<vmem>>, %arg4: memref<8x128xf32, #tpu.memory_space<vmem>>, %arg5: memref<1x128xf32, #tpu.memory_space<vmem>>, %arg6: memref<1x128xf32, #tpu.memory_space<vmem>>, %arg7: memref<16x128xf32, #tpu.memory_space<vmem>>, %arg8: memref<1x128xf32, #tpu.memory_space<vmem>>, %arg9: memref<128x128xf32, #tpu.memory_space<vmem>>, %arg10: memref<1x128xf32, #tpu.memory_space<vmem>>, %arg11: memref<3200x128xf32, #tpu.memory_space<vmem>>) attributes {dimension_semantics = [#tpu.dimension_semantics<arbitrary>], iteration_bounds = array<i64: 100>, scalar_prefetch = 0 : i64, scratch_operands = 0 : i64, tpu.core_type = #tpu.core_type<tc>, window_params = [{transform_indices = @transform_0, window_bounds = array<i64: 3200, 128>}, {transform_indices = @transform_1, window_bounds = array<i64: 3200, 128>}, {transform_indices = @transform_2, window_bounds = array<i64: 16, 3200>}, {pipeline_mode = #tpu.pipeline_mode<synchronous>, transform_indices = @transform_3, window_bounds = array<i64: 8, 128>}, {pipeline_mode = #tpu.pipeline_mode<synchronous>, transform_indices = @transform_4, window_bounds = array<i64: 1, 128>}, {pipeline_mode = #tpu.pipeline_mode<synchronous>, transform_indices = @transform_5, window_bounds = array<i64: 1, 128>}, {pipeline_mode = #tpu.pipeline_mode<synchronous>, transform_indices = @transform_6, window_bounds = array<i64: 16, 128>}, {pipeline_mode = #tpu.pipeline_mode<synchronous>, transform_indices = @transform_7, window_bounds = array<i64: 1, 128>}, {pipeline_mode = #tpu.pipeline_mode<synchronous>, transform_indices = @transform_8, window_bounds = array<i64: 128, 128>}, {pipeline_mode = #tpu.pipeline_mode<synchronous>, transform_indices = @transform_9, window_bounds = array<i64: 1, 128>}, {transform_indices = @transform_10, window_bounds = array<i64: 3200, 128>}]} {
    %get3A = arith.constant 0 : index
    %get3A_0 = arith.constant 0 : index
    %get3A_1 = vector.load %arg4[%get3A, %get3A_0] : memref<8x128xf32, #tpu.memory_space<vmem>>, vector<1x128xf32>
    %mul3A = arith.constant 3.125000e-06 : f32
    %mul3A_2 = vector.broadcast %mul3A : f32 to vector<1x128xf32>
    %mul3A_3 = arith.mulf %get3A_1, %mul3A_2 : vector<1x128xf32>
    %get3A_4 = arith.constant 1 : index
    %get3A_5 = arith.constant 0 : index
    %get3A_6 = vector.load %arg4[%get3A_4, %get3A_5] : memref<8x128xf32, #tpu.memory_space<vmem>>, vector<1x128xf32>
    %mul3A_7 = arith.constant 3.125000e-06 : f32
    %mul3A_8 = vector.broadcast %mul3A_7 : f32 to vector<1x128xf32>
    %mul3A_9 = arith.mulf %get3A_6, %mul3A_8 : vector<1x128xf32>
    %mul3A_10 = arith.mulf %mul3A_3, %mul3A_3 : vector<1x128xf32>
    %sub3A = arith.subf %mul3A_9, %mul3A_10 : vector<1x128xf32>
    %get3A_11 = arith.constant 0 : index
    %get3A_12 = arith.constant 0 : index
    %get3A_13 = vector.load %arg5[%get3A_11, %get3A_12] : memref<1x128xf32, #tpu.memory_space<vmem>>, vector<1x128xf32>
    %add3A = arith.constant 9.99999974E-6 : f32
    %add3A_14 = vector.broadcast %add3A : f32 to vector<1x128xf32>
    %add3A_15 = arith.addf %sub3A, %add3A_14 : vector<1x128xf32>
    %rsqrt3A = math.rsqrt %add3A_15 : vector<1x128xf32>
    %mul3A_16 = arith.mulf %get3A_13, %rsqrt3A : vector<1x128xf32>
    %get3A_17 = arith.constant 0 : index
    %get3A_18 = arith.constant 0 : index
    %get3A_19 = vector.load %arg6[%get3A_17, %get3A_18] : memref<1x128xf32, #tpu.memory_space<vmem>>, vector<1x128xf32>
    %mul3A_20 = arith.mulf %mul3A_3, %mul3A_16 : vector<1x128xf32>
    %sub3A_21 = arith.subf %get3A_19, %mul3A_20 : vector<1x128xf32>
    %get3A_22 = arith.constant 0 : index
    %get3A_23 = arith.constant 0 : index
    %get3A_24 = vector.load %arg1[%get3A_22, %get3A_23] : memref<3200x128xbf16, #tpu.memory_space<vmem>>, vector<3200x128xbf16>
    %convert_element_type3A = arith.extf %get3A_24 : vector<3200x128xbf16> to vector<3200x128xf32>
    %mul3A_25 = vector.broadcast %mul3A_16 : vector<1x128xf32> to vector<3200x128xf32>
    %mul3A_26 = arith.mulf %convert_element_type3A, %mul3A_25 : vector<3200x128xf32>
    %add3A_27 = vector.broadcast %sub3A_21 : vector<1x128xf32> to vector<3200x128xf32>
    %add3A_28 = arith.addf %mul3A_26, %add3A_27 : vector<3200x128xf32>
    %neg3A = arith.constant 0.000000e+00 : f32
    %neg3A_29 = vector.broadcast %neg3A : f32 to vector<3200x128xf32>
    %neg3A_30 = arith.subf %neg3A_29, %add3A_28 : vector<3200x128xf32>
    %exp3A = math.exp %neg3A_30 : vector<3200x128xf32>
    %add3A_31 = arith.constant 1.000000e+00 : f32
    %add3A_32 = vector.broadcast %add3A_31 : f32 to vector<3200x128xf32>
    %add3A_33 = arith.addf %add3A_32, %exp3A : vector<3200x128xf32>
    %div3A = arith.constant 1.000000e+00 : f32
    %div3A_34 = vector.broadcast %div3A : f32 to vector<3200x128xf32>
    %div3A_35 = arith.divf %div3A_34, %add3A_33 : vector<3200x128xf32>
    %get3A_36 = arith.constant 0 : index
    %get3A_37 = arith.constant 0 : index
    %get3A_38 = vector.load %arg3[%get3A_36, %get3A_37] : memref<16x3200xf32, #tpu.memory_space<vmem>>, vector<16x3200xf32>
    %get3A_39 = arith.constant 0 : index
    %get3A_40 = arith.constant 0 : index
    %get3A_41 = vector.load %arg7[%get3A_39, %get3A_40] : memref<16x128xf32, #tpu.memory_space<vmem>>, vector<16x128xf32>
    %dot_general3A = arith.constant dense<0.000000e+00> : vector<3200x128xf32>
    %dot_general3A_42 = tpu.matmul %get3A_38, %get3A_41, %dot_general3A {dimension_numbers = #tpu.dot_dimension_numbers<[0], [0], [1], [1], [0, 1, 1, 1], [], []>, transpose_lhs_hint = false} : vector<16x3200xf32>, vector<16x128xf32>, vector<3200x128xf32> -> vector<3200x128xf32>
    %get3A_43 = arith.constant 0 : index
    %get3A_44 = arith.constant 0 : index
    %get3A_45 = vector.load %arg2[%get3A_43, %get3A_44] : memref<3200x128xf32, #tpu.memory_space<vmem>>, vector<3200x128xf32>
    %add3A_46 = arith.addf %get3A_45, %dot_general3A_42 : vector<3200x128xf32>
    %get3A_47 = arith.constant 0 : index
    %get3A_48 = arith.constant 0 : index
    %get3A_49 = vector.load %arg8[%get3A_47, %get3A_48] : memref<1x128xf32, #tpu.memory_space<vmem>>, vector<1x128xf32>
    %add3A_50 = vector.broadcast %get3A_49 : vector<1x128xf32> to vector<3200x128xf32>
    %add3A_51 = arith.addf %add3A_46, %add3A_50 : vector<3200x128xf32>
    %neg3A_52 = arith.constant 0.000000e+00 : f32
    %neg3A_53 = vector.broadcast %neg3A_52 : f32 to vector<3200x128xf32>
    %neg3A_54 = arith.subf %neg3A_53, %add3A_51 : vector<3200x128xf32>
    %exp3A_55 = math.exp %neg3A_54 : vector<3200x128xf32>
    %add3A_56 = arith.constant 1.000000e+00 : f32
    %add3A_57 = vector.broadcast %add3A_56 : f32 to vector<3200x128xf32>
    %add3A_58 = arith.addf %add3A_57, %exp3A_55 : vector<3200x128xf32>
    %div3A_59 = arith.constant 1.000000e+00 : f32
    %div3A_60 = vector.broadcast %div3A_59 : f32 to vector<3200x128xf32>
    %div3A_61 = arith.divf %div3A_60, %add3A_58 : vector<3200x128xf32>
    %mul3A_62 = arith.mulf %add3A_51, %div3A_61 : vector<3200x128xf32>
    %get3A_63 = arith.constant 0 : index
    %get3A_64 = arith.constant 0 : index
    %get3A_65 = vector.load %arg9[%get3A_63, %get3A_64] : memref<128x128xf32, #tpu.memory_space<vmem>>, vector<128x128xf32>
    %dot_general3A_66 = arith.constant dense<0.000000e+00> : vector<3200x128xf32>
    %dot_general3A_67 = tpu.matmul %mul3A_62, %get3A_65, %dot_general3A_66 {dimension_numbers = #tpu.dot_dimension_numbers<[1], [0], [0], [1], [0, 0, 1, 1], [], []>, transpose_lhs_hint = false} : vector<3200x128xf32>, vector<128x128xf32>, vector<3200x128xf32> -> vector<3200x128xf32>
    %get3A_68 = arith.constant 0 : index
    %get3A_69 = arith.constant 0 : index
    %get3A_70 = vector.load %arg10[%get3A_68, %get3A_69] : memref<1x128xf32, #tpu.memory_space<vmem>>, vector<1x128xf32>
    %add3A_71 = vector.broadcast %get3A_70 : vector<1x128xf32> to vector<3200x128xf32>
    %add3A_72 = arith.addf %dot_general3A_67, %add3A_71 : vector<3200x128xf32>
    %mul3A_73 = arith.mulf %add3A_72, %div3A_35 : vector<3200x128xf32>
    %swap3A = arith.constant 0 : index
    %swap3A_74 = arith.constant 0 : index
    %swap3A_75 = vector.load %arg11[%swap3A, %swap3A_74] : memref<3200x128xf32, #tpu.memory_space<vmem>>, vector<3200x128xf32>
    tpu.vector_store %arg11[%swap3A, %swap3A_74], %mul3A_73 {strides = array<i32>} : memref<3200x128xf32, #tpu.memory_space<vmem>>, vector<3200x128xf32>,
    return
  }
  func.func @transform_0(%arg0: i32) -> (i32, i32) {
    %c0_i32 = arith.constant 0 : i32
    %c0_i32_0 = arith.constant 0 : i32
    return %arg0, %c0_i32 : i32, i32
  }
  func.func @transform_1(%arg0: i32) -> (i32, i32) {
    %c0_i32 = arith.constant 0 : i32
    %c0_i32_0 = arith.constant 0 : i32
    return %arg0, %c0_i32 : i32, i32
  }
  func.func @transform_2(%arg0: i32) -> (i32, i32) {
    %c0_i32 = arith.constant 0 : i32
    %c0_i32_0 = arith.constant 0 : i32
    return %c0_i32, %arg0 : i32, i32
  }
  func.func @transform_3(%arg0: i32) -> (i32, i32) {
    %c0_i32 = arith.constant 0 : i32
    %c0_i32_0 = arith.constant 0 : i32
    %c0_i32_1 = arith.constant 0 : i32
    return %c0_i32, %c0_i32_0 : i32, i32
  }
  func.func @transform_4(%arg0: i32) -> (i32, i32) {
    %c0_i32 = arith.constant 0 : i32
    %c0_i32_0 = arith.constant 0 : i32
    %c0_i32_1 = arith.constant 0 : i32
    return %c0_i32, %c0_i32_0 : i32, i32
  }
  func.func @transform_5(%arg0: i32) -> (i32, i32) {
    %c0_i32 = arith.constant 0 : i32
    %c0_i32_0 = arith.constant 0 : i32
    %c0_i32_1 = arith.constant 0 : i32
    return %c0_i32, %c0_i32_0 : i32, i32
  }
  func.func @transform_6(%arg0: i32) -> (i32, i32) {
    %c0_i32 = arith.constant 0 : i32
    %c0_i32_0 = arith.constant 0 : i32
    %c0_i32_1 = arith.constant 0 : i32
    return %c0_i32, %c0_i32_0 : i32, i32
  }
  func.func @transform_7(%arg0: i32) -> (i32, i32) {
    %c0_i32 = arith.constant 0 : i32
    %c0_i32_0 = arith.constant 0 : i32
    %c0_i32_1 = arith.constant 0 : i32
    return %c0_i32, %c0_i32_0 : i32, i32
  }
  func.func @transform_8(%arg0: i32) -> (i32, i32) {
    %c0_i32 = arith.constant 0 : i32
    %c0_i32_0 = arith.constant 0 : i32
    %c0_i32_1 = arith.constant 0 : i32
    return %c0_i32, %c0_i32_0 : i32, i32
  }
  func.func @transform_9(%arg0: i32) -> (i32, i32) {
    %c0_i32 = arith.constant 0 : i32
    %c0_i32_0 = arith.constant 0 : i32
    %c0_i32_1 = arith.constant 0 : i32
    return %c0_i32, %c0_i32_0 : i32, i32
  }
  func.func @transform_10(%arg0: i32) -> (i32, i32) {
    %c0_i32 = arith.constant 0 : i32
    %c0_i32_0 = arith.constant 0 : i32
    return %arg0, %c0_i32 : i32, i32
  }
}

module attributes {stable_mosaic.version = 14 : i64} {
  func.func @_final_body(%arg0: memref<2x10000x128xf32, #tpu.memory_space<vmem>>, %arg1: memref<10000x128xf32, #tpu.memory_space<vmem>>, %arg2: memref<128x128xf32, #tpu.memory_space<vmem>>, %arg3: memref<1x128xf32, #tpu.memory_space<vmem>>, %arg4: memref<1x128xf32, #tpu.memory_space<vmem>>, %arg5: memref<1x128xf32, #tpu.memory_space<vmem>>, %arg6: memref<10000x128xf32, #tpu.memory_space<vmem>>) attributes {dimension_semantics = [], scalar_prefetch = 0 : i64, scratch_operands = 0 : i64, tpu.core_type = #tpu.core_type<tc>} {
    %get3A = arith.constant 0 : index
    %get3A_0 = arith.constant 0 : index
    %get3A_1 = arith.constant 0 : index
    %get3A_2 = vector.load %arg0[%get3A, %get3A_0, %get3A_1] : memref<2x10000x128xf32, #tpu.memory_space<vmem>>, vector<1x10000x128xf32>
    %get3A_3 = vector.shape_cast %get3A_2 : vector<1x10000x128xf32> to vector<10000x128xf32>
    %get3A_4 = arith.constant 1 : index
    %get3A_5 = arith.constant 0 : index
    %get3A_6 = arith.constant 0 : index
    %get3A_7 = vector.load %arg0[%get3A_4, %get3A_5, %get3A_6] : memref<2x10000x128xf32, #tpu.memory_space<vmem>>, vector<1x10000x128xf32>
    %get3A_8 = vector.shape_cast %get3A_7 : vector<1x10000x128xf32> to vector<10000x128xf32>
    %add3A = arith.addf %get3A_3, %get3A_8 : vector<10000x128xf32>
    %get3A_9 = arith.constant 0 : index
    %get3A_10 = arith.constant 0 : index
    %get3A_11 = vector.load %arg2[%get3A_9, %get3A_10] : memref<128x128xf32, #tpu.memory_space<vmem>>, vector<128x128xf32>
    %dot_general3A = arith.constant dense<0.000000e+00> : vector<10000x128xf32>
    %dot_general3A_12 = tpu.matmul %add3A, %get3A_11, %dot_general3A {dimension_numbers = #tpu.dot_dimension_numbers<[1], [0], [0], [1], [0, 0, 1, 1], [], []>, transpose_lhs_hint = false} : vector<10000x128xf32>, vector<128x128xf32>, vector<10000x128xf32> -> vector<10000x128xf32>
    %get3A_13 = arith.constant 0 : index
    %get3A_14 = arith.constant 0 : index
    %get3A_15 = vector.load %arg3[%get3A_13, %get3A_14] : memref<1x128xf32, #tpu.memory_space<vmem>>, vector<1x128xf32>
    %add3A_16 = vector.broadcast %get3A_15 : vector<1x128xf32> to vector<10000x128xf32>
    %add3A_17 = arith.addf %dot_general3A_12, %add3A_16 : vector<10000x128xf32>
    %reduce_sum3A = arith.constant dense<0.000000e+00> : vector<128xf32>
    %reduce_sum3A_18 = vector.multi_reduction <add>, %add3A_17, %reduce_sum3A [0] : vector<10000x128xf32> to vector<128xf32>
    %broadcast_in_dim3A = vector.shape_cast %reduce_sum3A_18 : vector<128xf32> to vector<1x128xf32>
    %mul3A = arith.constant 9.99999974E-5 : f32
    %mul3A_19 = vector.broadcast %mul3A : f32 to vector<1x128xf32>
    %mul3A_20 = arith.mulf %broadcast_in_dim3A, %mul3A_19 : vector<1x128xf32>
    %mul3A_21 = arith.mulf %add3A_17, %add3A_17 : vector<10000x128xf32>
    %reduce_sum3A_22 = arith.constant dense<0.000000e+00> : vector<128xf32>
    %reduce_sum3A_23 = vector.multi_reduction <add>, %mul3A_21, %reduce_sum3A_22 [0] : vector<10000x128xf32> to vector<128xf32>
    %broadcast_in_dim3A_24 = vector.shape_cast %reduce_sum3A_23 : vector<128xf32> to vector<1x128xf32>
    %mul3A_25 = arith.constant 9.99999974E-5 : f32
    %mul3A_26 = vector.broadcast %mul3A_25 : f32 to vector<1x128xf32>
    %mul3A_27 = arith.mulf %broadcast_in_dim3A_24, %mul3A_26 : vector<1x128xf32>
    %mul3A_28 = arith.mulf %mul3A_20, %mul3A_20 : vector<1x128xf32>
    %sub3A = arith.subf %mul3A_27, %mul3A_28 : vector<1x128xf32>
    %get3A_29 = arith.constant 0 : index
    %get3A_30 = arith.constant 0 : index
    %get3A_31 = vector.load %arg4[%get3A_29, %get3A_30] : memref<1x128xf32, #tpu.memory_space<vmem>>, vector<1x128xf32>
    %add3A_32 = arith.constant 9.99999974E-6 : f32
    %add3A_33 = vector.broadcast %add3A_32 : f32 to vector<1x128xf32>
    %add3A_34 = arith.addf %sub3A, %add3A_33 : vector<1x128xf32>
    %rsqrt3A = math.rsqrt %add3A_34 : vector<1x128xf32>
    %mul3A_35 = arith.mulf %get3A_31, %rsqrt3A : vector<1x128xf32>
    %get3A_36 = arith.constant 0 : index
    %get3A_37 = arith.constant 0 : index
    %get3A_38 = vector.load %arg1[%get3A_36, %get3A_37] : memref<10000x128xf32, #tpu.memory_space<vmem>>, vector<10000x128xf32>
    %mul3A_39 = vector.broadcast %mul3A_35 : vector<1x128xf32> to vector<10000x128xf32>
    %mul3A_40 = arith.mulf %add3A_17, %mul3A_39 : vector<10000x128xf32>
    %add3A_41 = arith.addf %get3A_38, %mul3A_40 : vector<10000x128xf32>
    %get3A_42 = arith.constant 0 : index
    %get3A_43 = arith.constant 0 : index
    %get3A_44 = vector.load %arg5[%get3A_42, %get3A_43] : memref<1x128xf32, #tpu.memory_space<vmem>>, vector<1x128xf32>
    %mul3A_45 = arith.mulf %mul3A_20, %mul3A_35 : vector<1x128xf32>
    %sub3A_46 = arith.subf %get3A_44, %mul3A_45 : vector<1x128xf32>
    %add3A_47 = vector.broadcast %sub3A_46 : vector<1x128xf32> to vector<10000x128xf32>
    %add3A_48 = arith.addf %add3A_41, %add3A_47 : vector<10000x128xf32>
    %max3A = arith.constant 0.000000e+00 : f32
    %max3A_49 = vector.broadcast %max3A : f32 to vector<10000x128xf32>
    %max3A_50 = arith.maximumf %add3A_48, %max3A_49 : vector<10000x128xf32>
    %abs3A = math.absf %add3A_48 : vector<10000x128xf32>
    %neg3A = arith.constant 0.000000e+00 : f32
    %neg3A_51 = vector.broadcast %neg3A : f32 to vector<10000x128xf32>
    %neg3A_52 = arith.subf %neg3A_51, %abs3A : vector<10000x128xf32>
    %exp3A = math.exp %neg3A_52 : vector<10000x128xf32>
    %add3A_53 = arith.constant 1.000000e+00 : f32
    %add3A_54 = vector.broadcast %add3A_53 : f32 to vector<10000x128xf32>
    %add3A_55 = arith.addf %add3A_54, %exp3A : vector<10000x128xf32>
    %log3A = math.log %add3A_55 : vector<10000x128xf32>
    %add3A_56 = arith.addf %max3A_50, %log3A : vector<10000x128xf32>
    %swap3A = arith.constant 0 : index
    %swap3A_57 = arith.constant 0 : index
    %swap3A_58 = vector.load %arg6[%swap3A, %swap3A_57] : memref<10000x128xf32, #tpu.memory_space<vmem>>, vector<10000x128xf32>
    tpu.vector_store %arg6[%swap3A, %swap3A_57], %add3A_56 {strides = array<i32>} : memref<10000x128xf32, #tpu.memory_space<vmem>>, vector<10000x128xf32>,
    return
  }
}

</mosaic_0001>

<sc_bundles>
// kernel: kernel.12.cloned.1.call-start
scs
__scs_entry_jumppad:
0x0: {  	(pc) =	sbr.rel $0x88, $3  }
0x1: {  	(tag) =	ssettag $0x0;
	lr =	simm.s32 $0x1  }
0x2: {  	[smem:$0x3F88] =	sst lr;
	_ =	strace $0xD0000000  }
0x3: {  	_ = 	snop  }
0x4: {  	_ = 	snop  }
0x5: {  	_ = 	snop  }
0x6: {  	_ = 	snop  }
0x7: {  	_ = 	snop  }
__scs_overlays_trampoline_lowered:
0x8: {  	[smem:$0x3F97] =	sst s0  }
0x9: {  	[smem:$0x3F98] =	sst s1  }
0xa: {  	[smem:$0x3F99] =	sst s2  }
0xb: {  	[smem:$0x3F9A] =	sst s3  }
0xc: {  	[smem:$0x3F9B] =	sst s4  }
0xd: {  	[smem:$0x3F9C] =	sst s5  }
0xe: {  	[smem:$0x3F9D] =	sst s6  }
0xf: {  	[smem:$0x3F9E] =	sst s7  }
0x10: {  	[smem:$0x3F9F] =	sst s8  }
0x11: {  	[smem:$0x3FA0] =	sst s9;
	s0 =	simm.s32 @!p0 $0x0  }
0x12: {  	s1 =	sld [smem:$0x3F86];
	s0 =	simm.s32 @p0 $0x1  }
0x13: {  	[smem:$0x3FA1] =	sst s0;
	s0 =	simm.s32 @!p1 $0x0  }
0x14: {  	s2 =	sld [smem:$0x3F85];
	s0 =	simm.s32 @p1 $0x1  }
0x15: {  	[smem:$0x3FA2] =	sst s0;
	s0 =	simm.s32 @!p2 $0x0  }
0x16: {  	s3 =	sld [smem:$0x3FDB];
	s0 =	simm.s32 @p2 $0x1  }
0x17: {  	s4 =	simm.s32 $0x1BF5;
	[smem:$0x3FA4] =	sst s0  }
0x18: {  	s0 =	sld [smem:$0x3F87];
	_ =	swait.ge [sflag:s4], $0x0  }
0x19: {  	s7 =	sld [smem:$0x3F88]  }
0x1a: {  	s8 =	sadd.s32 $0xFFFFE003, lr  }
0x1b: {  	s9 =	sadd.s32 $0xFFFFFEF7, lr;
	s5 =	simm.s32 $0xFFFFFFFF;
	p2 =	slt.u32 s8, $0xFFFFF086  }
0x1c: {  	p1 =	slt.u32 s9, $0xF7A;
	s5 =	simm.s32 @!p2 $0x0  }
0x1d: {  	s5 =	simm.s32 @p1 $0x1;
	p0 =	seq.s32 s7, s2  }
0x1e: {  	s7 =	smul.u32 @!p0 $0xF7A, s2;
	p2 =	seq.s32 @!p0 s5, $0x0  }
0x1f: {  	s9 =	smul.u32 $0xF7A, s1;
	s8 =	simm.s32 @!p0 $0x1BF5;
	p2 =	por !p2, p0  }
0x20: {  	[sflag:s8] =	ssyncset.s32 @!p0 $0xFFFFF086;
	s6 =	sadd.s32 @!p0 s3, s7;
	s7 =	simm.s32 @!p0 $0x108  }
0x21: {  	s3 =	sadd.s32 s3, s9;
	s6 =	sadd.s32 @!p0 $0x88, s6;
	s7 =	simm.s32 @p2 $0x1082  }
0x22: {  	[simem:s7], [sflag:s8] =	dma.local @!p0 [hbm:s6], $0xF7A  }
0x23: {  	s9 =	sor.u32 $0xD0000000, s2;
	s6 =	simm.s32 $0x108;
	_ =	swait.ge @!p0 [sflag:s8], $0x0  }
0x24: {  	s3 =	sadd.s32 $0x88, s3;
	s6 =	simm.s32 @!p1 $0x1082;
	[sflag:s4] =	ssyncset.s32 $0xFFFFF086  }
0x25: {  	[simem:s6], [sflag:s4] =	dma.local [hbm:s3], $0xF7A  }
0x26: {  	[smem:$0x3F88] =	sst s1;
	(tag) =	ssettag s2;
	_ =	strace s9  }
0x27: {  	s1 =	sld [smem:$0x3F98]  }
0x28: {  	s2 =	sld [smem:$0x3F99]  }
0x29: {  	s4 =	sld [smem:$0x3F9B]  }
0x2a: {  	p0 =	seq.s32 s5, $0x0;
	s5 =	sld [smem:$0x3F9C]  }
0x2b: {  	s6 =	sld [smem:$0x3F9D]  }
0x2c: {  	s7 =	sld [smem:$0x3F9E]  }
0x2d: {  	s3 =	simm.s32 $0x108;
	s8 =	sld [smem:$0x3F9F]  }
0x2e: {  	s3 =	simm.s32 @!p0 $0x1082;
	s9 =	sld [smem:$0x3FA0]  }
0x2f: {  	lr =	sadd.s32 s0, s3;
	s0 =	sld [smem:$0x3F97]  }
0x30: {  	s3 =	sld [smem:$0x3F9A]  }
0x31: {  	[smem:$0x3FA3] =	sst s10  }
0x32: {  	s10 =	sld [smem:$0x3FA1];
	_ =	sdelay $0x3  }
0x33: {  	p0 =	seq.s32 s10, $0x1;
	s10 =	sld [smem:$0x3FA3];
	_ =	sdelay $0x3  }
0x34: {  	[smem:$0x3FA3] =	sst s10  }
0x35: {  	s10 =	sld [smem:$0x3FA2];
	_ =	sdelay $0x3  }
0x36: {  	p1 =	seq.s32 s10, $0x1;
	s10 =	sld [smem:$0x3FA3];
	_ =	sdelay $0x3  }
0x37: {  	[smem:$0x3FA3] =	sst s10  }
0x38: {  	s10 =	sld [smem:$0x3FA4]  }
0x39: {  	_ = 	snop;
	(pc) =	sbr.ind lr, $3  }
0x3a: {  	_ = 	snop  }
0x3b: {  	_ = 	snop  }
0x3c: {  	p2 =	seq.s32 s10, $0x1;
	s10 =	sld [smem:$0x3FA3]  }
0x3d: {  	_ =	shalt  }
0x3e: {  	_ =	shalt  }
0x3f: {  	_ =	shalt  }
0x40: {  	_ =	shalt  }
0x41: {  	_ =	shalt  }
0x42: {  	_ =	shalt  }
0x43: {  	_ =	shalt  }
0x44: {  	_ =	shalt  }
0x45: {  	_ =	shalt  }
0x46: {  	_ =	shalt  }
0x47: {  	_ =	shalt  }
0x48: {  	_ =	shalt  }
0x49: {  	_ =	shalt  }
0x4a: {  	_ =	shalt  }
0x4b: {  	_ =	shalt  }
0x4c: {  	_ =	shalt  }
0x4d: {  	_ =	shalt  }
0x4e: {  	_ =	shalt  }
0x4f: {  	_ =	shalt  }
0x50: {  	_ =	shalt  }
0x51: {  	_ =	shalt  }
0x52: {  	_ =	shalt  }
0x53: {  	_ =	shalt  }
0x54: {  	_ =	shalt  }
0x55: {  	_ =	shalt  }
0x56: {  	_ =	shalt  }
0x57: {  	_ =	shalt  }
0x58: {  	_ =	shalt  }
0x59: {  	_ =	shalt  }
0x5a: {  	_ =	shalt  }
0x5b: {  	_ =	shalt  }
0x5c: {  	_ =	shalt  }
0x5d: {  	_ =	shalt  }
0x5e: {  	_ =	shalt  }
0x5f: {  	_ =	shalt  }
0x60: {  	_ =	shalt  }
0x61: {  	_ =	shalt  }
0x62: {  	_ =	shalt  }
0x63: {  	_ =	shalt  }
0x64: {  	_ =	shalt  }
0x65: {  	_ =	shalt  }
0x66: {  	_ =	shalt  }
0x67: {  	_ =	shalt  }
0x68: {  	_ =	shalt  }
0x69: {  	_ =	shalt  }
0x6a: {  	_ =	shalt  }
0x6b: {  	_ =	shalt  }
0x6c: {  	_ =	shalt  }
0x6d: {  	_ =	shalt  }
0x6e: {  	_ =	shalt  }
0x6f: {  	_ =	shalt  }
0x70: {  	_ =	shalt  }
0x71: {  	_ =	shalt  }
0x72: {  	_ =	shalt  }
0x73: {  	_ =	shalt  }
0x74: {  	_ =	shalt  }
0x75: {  	_ =	shalt  }
0x76: {  	_ =	shalt  }
0x77: {  	_ =	shalt  }
0x78: {  	_ =	shalt  }
0x79: {  	_ =	shalt  }
0x7a: {  	_ =	shalt  }
0x7b: {  	_ =	shalt  }
0x7c: {  	_ =	shalt  }
0x7d: {  	_ =	shalt  }
0x7e: {  	_ =	shalt  }
0x7f: {  	_ =	shalt  }
0x80: {  	_ =	shalt  }
0x81: {  	_ =	shalt  }
0x82: {  	_ =	shalt  }
0x83: {  	_ =	shalt  }
0x84: {  	_ =	shalt  }
0x85: {  	_ =	shalt  }
0x86: {  	_ =	shalt  }
0x87: {  	_ =	shalt  }
.Lfunc_end0:
.L_simem_size_0:
called_computation.1_lowered:
.L_overlay_start_0:
0x88: {  	s2 =	sld [smem:$0x3FD9]  }
0x89: {  	s3 =	sld [smem:$0x3FFE];
	_ =	sdelay $0x1  }
0x8a: {  	s1 =	srdreg.scid  }
0x8b: {  	s0 =	sand.u32 $0x1, s1  }
0x8c: {  	s17 =	sshll.u32 s0, $0xA;
	s2 =	sadd.s32 s3, s2  }
0x8d: {  	s2 =	sadd.s32 s2, s17  }
0x8e: {  	[smem:$0x3FAF] =	sst s2  }
0x8f: {  	_ = 	snop  }
0x90: {  	s18 =	sld [smem:$0x3FD0];
	(tm) =	ssettm $0x1  }
0x91: {  	s19 =	sld [smem:$0x3FFB];
	_ =	sdelay $0x3  }
0x92: {  	_ =	strace s19  }
0x93: {  	s2 =	sld [smem:$0x3FFC];
	_ =	sdelay $0x3  }
0x94: {  	_ =	strace s2  }
0x95: {  	s2 =	sld [smem:$0x3FFD];
	_ =	sdelay $0x3  }
0x96: {  	_ =	strace s2  }
0x97: {  	_ =	strace $0x8FFFFFFF  }
0x98: {  	s20 =	sld [smem:$0x3FDB];
	_ =	sdelay $0x1  }
0x99: {  	s4 =	simm.s32 $_scs_section_size  }
0x9a: {  	s5 =	simm.s32 $_size__tile_overlayer_lowered;
	s6 =	simm.s32 $_tile_overlayer_lowered  }
0x9b: {  	s7 =	simm.s32 $0x1BFF;
	s21 =	sshll.u32 s6, $0x1;
	s4 =	sadd.s32 s4, s20  }
0x9c: {  	s22 =	simm.s32 $0x0;
	s5 =	sshll.u32 s5, $0x1;
	s6 =	sadd.s32 s21, s4  }
0x9d: {  	[timem:s22], [sflag:s7] =	dma.local [hbm:s6], s5  }
0x9e: {  	_ =	swait.ge [sflag:s7], s5  }
0x9f: {  	s5 =	ssub.s32 $0x0, s5;
	[sflag:s7] =	ssyncset.done $0x0  }
0xa0: {  	[sflag:s7] =	ssyncadd.s32 s5;
	_ =	sdelay $0x1  }
0xa1: {  	s23 =	simm.s32 $0x1B8B  }
0xa2: {  	_ =	swait.ge [sflag:s23], $0x1  }
0xa3: {  	[sflag:s23] =	ssyncset.done $0x0  }
0xa4: {  	[sflag:s23] =	ssyncadd.s32 $0xFFFFFFFF  }
0xa5: {  	s5 =	sld [smem:$0x0]  }
0xa6: {  	s6 =	sand.u32 $0xFFFFFFFE, s1  }
0xa7: {  	p0 =	sne.s32 s1, s6  }
0xa8: {  	s6 =	sshll.u32 @p0 s6, $0xE  }
0xa9: {  	s6 =	sadd.s32 @p0 $0x11B8D, s6;
	s7 =	sshll.u32 @p0 s5, $0x11  }
0xaa: {  	s6 =	sor.u32 @p0 s7, s6  }
0xab: {  	[sflag:s6] =	ssyncadd.remote.s32 @p0 $0x1;
	_ =	sdelay $0x1  }
0xac: {  	s6 =	simm.s32 @p0 $0x1B8D  }
0xad: {  	_ =	swait.eq @p0 [sflag:s6], $0x1  }
0xae: {  	[sflag:s6] =	ssyncadd.s32 @p0 $0xFFFFFFFF  }
0xaf: {  	s7 =	sshll.u32 @!p0 s1, $0xE  }
0xb0: {  	s7 =	sor.u32 @!p0 $0x4000, s7;
	s6 =	simm.s32 @!p0 $0x1B8D  }
0xb1: {  	s5 =	sshll.u32 @!p0 s5, $0x11;
	s7 =	sadd.s32 @!p0 $0x11B8D, s7;
	_ =	swait.eq @!p0 [sflag:s6], $0x1  }
0xb2: {  	s5 =	sor.u32 @!p0 s5, s7;
	[sflag:s6] =	ssyncadd.s32 @!p0 $0xFFFFFFFF  }
0xb3: {  	s25 =	simm.s32 $0x1B8E;
	s24 =	sld [smem:$0x3FFE];
	[sflag:s5] =	ssyncadd.remote.s32 @!p0 $0x1  }
0xb4: {  	s26 =	simm.s32 $execute0_lowered;
	[smem:$0x3FD2] =	sst s25  }
0xb5: {  	s6 =	sshll.u32 s26, $0x1;
	_ =	strace $0x80000049;
	[dreg:$0x1] =	wrdreg $0xFFFFFFFF  }
0xb6: {  	s28 =	simm.s32 $_size_execute0_lowered;
	s4 =	sadd.s32 s4, s6;
	[dreg:$0x0] =	wrdreg $0x0  }
0xb7: {  	s6 =	sshll.u32 s28, $0x1;
	[dreg:$0x2] =	wrdreg s4  }
0xb8: {  	[dreg:$0x3] =	wrdreg s6  }
0xb9: {  	[dreg:$0x4] =	wrdreg $0xC0  }
0xba: {  	_ =	task [dreg:s22], $0x5FFFF  }
0xbb: {  	[dreg:$0x1] =	wrdreg $0xFFFFFFFF  }
0xbc: {  	[dreg:$0x0] =	wrdreg $0x60  }
0xbd: {  	[dreg:$0x2] =	wrdreg s24  }
0xbe: {  	[dreg:$0x3] =	wrdreg s18  }
0xbf: {  	[dreg:$0x4] =	wrdreg $0xA  }
0xc0: {  	_ =	task.clear_ibuf [dreg:s22], $0x5FFFF;
	_ =	strace $0x90000049  }
0xc1: {  	s29 =	simm.s32 $0xA;
	_ =	strace $0x8000004B  }
0xc2: {  	_ =	swait.ge [sflag:s29], $0x1  }
0xc3: {  	[sflag:s29] =	ssyncadd.s32 $0xFFFFFFFF  }
0xc4: {  	_ =	strace $0x9000004B  }
0xc5: {  	_ =	sfence  }
0xc6: {  	s30 =	sld [smem:$0x0];
	_ =	sdelay $0x2  }
0xc7: {  	s31 =	sshll.u32 s1, $0xD;
	s1 =	sshrl.u32 s1, $0x2  }
0xc8: {  	s4 =	sand.u32 $0x4000, s31;
	s1 =	sadd.s32 s1, s30  }
0xc9: {  	s0 =	sor.u32 s4, s0;
	s1 =	sshll.u32 s1, $0x11  }
0xca: {  	s0 =	sor.u32 s1, s0  }
0xcb: {  	s0 =	sadd.s32 $0x8F2B, s0  }
0xcc: {  	[sflag:s0] =	ssyncadd.remote.s32 $0x1  }
0xcd: {  	_ =	sfence.sel $0xFFFF  }
0xce: {  	[dreg:$0x0] =	wrdreg $0xFFFFFFFF;
	(pc) =	sbr.abs _section_cstart, $3  }
0xcf: {  	[dreg:$0x1] =	wrdreg $0xFFFFFFFF  }
0xd0: {  	_ =	task.clear_ibuf [dreg:s22], $0x2FFFF;
	_ =	strace $0x9FFFFFFF  }
0xd1: {  	(tm) =	ssettm $0x7FFFFFFF  }
tec
execute0_lowered:
.L_overlay_start_1:
0x0: {  	(tag) =	ssettag $0x1  }
0x1: {  	s7 =	rddreg [dreg:$0x0]  }
0x2: {  	s2 =	rddreg [dreg:$0x1];
	s0 =	stileid.u32  }
0x3: {  	s3 =	srdreg.scid;
	s15 =	simm.s32 $0xC8;
	s16 =	simm.s32 $0x200  }
0x4: {  	s17 =	simm.s32 $0x1;
	s18 =	simm.s32 $0x6600;
	s19 =	simm.s32 $0x6700  }
0x5: {  	s20 =	simm.s32 $0x6800;
	s21 =	simm.s32 $0x3;
	s22 =	simm.s32 $0x2  }
0x6: {  	s23 =	simm.s32 $0x4;
	s24 =	simm.s32 $0x0;
	s9 =	smul.u32 $0x4E200, s0  }
0x7: {  	s8 =	sand.u32 $0x1, s3;
	s4 =	sshll.u32 s0, $0x1;
	s13 =	smul.u32 $0x4E20, s0  }
0x8: {  	s3 =	simm.s32 $0x0;
	s5 =	sadd.s32 $0x4C00, s7;
	s11 =	smul.u32 $0x27100, s8  }
0x9: {  	s4 =	sor.u32 s8, s4;
	s12 =	ssub.s32 $0x2, s8;
	s8 =	smul.u32 $0x2710, s8  }
0xa: {  	s6 =	sadd.s32 $0x8DE00, s7;
	[smem:$0x7FF] =	sst s3;
	s10 =	smul.u32 $0x2710, s4  }
0xb: {  	_ =	strace $0x8000004A;
	s14 =	sshrl.u32 s12, $0x1;
	s9 =	sadd.s32 s9, s7  }
0xc: {  	s4 =	sadd.s32 $0xEA00, s7;
	s12 =	ssub.s32 s12, s14;
	s9 =	sadd.s32 s11, s9  }
0xd: {  	s13 =	sadd.s32 s8, s13;
	s14 =	simm.s32 $0x100;
	s10 =	sshrl.u32 s10, $0x3  }
0xe: {  	s30 =	sadd.s32 $0xA79000, s9;
	s31 =	sadd.s32 $0xC8, s13;
	s9 =	smax.u32 s12, $0x1  }
0xf: {  	s12 =	sadd.s32 $0x190, s13;
	s13 =	simm.s32 $0x5;
	s29 =	sadd.s32 s4, s10  }
0x10: {  	s8 =	sadd.s32 s5, s10;
	[dreg:$0x3] =	wrdreg s30;
	s11 =	sshrl.u32 s31, $0x3  }
0x11: {  	[dreg:$0x4] =	wrdreg s29;
	s10 =	sadd.s32 s11, s5;
	s11 =	sadd.s32 s11, s4  }
.LBB2_1:
0x12: {  	s0 =	rddreg [dreg:$0x4]  }
0x13: {  	[tilespmem:s3], [sflag:$0x5] =	stream.linear.gather [hbm4b:s0+s3], $0xC8, $0x38;
	[tilespmem:$0xCC00] =	vst v63  }
0x14: {  	_ =	swait.ge [sflag:s13], $0xC8  }
0x15: {  	[sflag:s13] =	ssyncset.done $0x0  }
0x16: {  	[sflag:s13] =	ssyncadd.s32 $0xFFFFFF38  }
0x17: {  	[tilespmem:s14], [sflag:$0x5] =	stream.linear.gather [hbm4b:s8+s3], $0xC8, $0x38;
	[tilespmem:$0xCC00] =	vst v63  }
0x18: {  	_ =	swait.ge [sflag:s13], $0xC8  }
0x19: {  	[sflag:s13] =	ssyncset.done $0x0  }
0x1a: {  	[sflag:s13] =	ssyncadd.s32 $0xFFFFFF38  }
0x1b: {  	[tilespmem:s16], [sflag:$0x1] =	stream.indirect.gather [hbm4b:s6+s15], $0x80, s3, s15, $0xb8;
	[tilespmem:$0xCC00] =	vst v63  }
0x1c: {  	_ =	swait.ge [sflag:s17], $0x6400  }
0x1d: {  	p0 =	por $0x1, $0x1;
	[sflag:s17] =	ssyncset.done $0x0  }
0x1e: {  	s25 =	simm.s32 @!p0 $0x4;
	[sflag:s17] =	ssyncadd.s32 $0xFFFF9C00  }
0x1f: {  	[tilespmem:s16], [sflag:$0x1] =	stream.indirect.gather.add.f32 [hbm:s2], $0x80, s14, s15, $0xb8;
	[tilespmem:$0xCC00] =	vst v63  }
0x20: {  	_ =	swait.ge @!p0 [sflag:s25], $0x6400  }
0x21: {  	[sflag:s25] =	ssyncset.done @!p0 $0x0  }
0x22: {  	[sflag:s25] =	ssyncadd.s32 @!p0 $0xFFFF9C00  }
0x23: {  	[tilespmem:s18], [sflag:$0x5] =	stream.linear.gather [hbm4b:s11+s3], $0xC8, $0x38;
	[tilespmem:$0xCC00] =	vst v63  }
0x24: {  	_ =	swait.ge [sflag:s13], $0xC8  }
0x25: {  	[sflag:s13] =	ssyncset.done $0x0  }
0x26: {  	[sflag:s13] =	ssyncadd.s32 $0xFFFFFF38  }
0x27: {  	[tilespmem:s19], [sflag:$0x5] =	stream.linear.gather [hbm4b:s10+s3], $0xC8, $0x38;
	[tilespmem:$0xCC00] =	vst v63  }
0x28: {  	_ =	swait.ge [sflag:s13], $0xC8  }
0x29: {  	[sflag:s13] =	ssyncset.done $0x0  }
0x2a: {  	[sflag:s13] =	ssyncadd.s32 $0xFFFFFF38  }
0x2b: {  	[tilespmem:s20], [sflag:$0x3] =	stream.indirect.gather [hbm4b:s6+s15], $0x80, s18, s15, $0xb8;
	[tilespmem:$0xCC00] =	vst v63  }
0x2c: {  	_ =	swait.ge [sflag:s17], $0x6400  }
0x2d: {  	s31 =	rddreg [dreg:$0x3];
	[sflag:s17] =	ssyncset.done $0x0  }
0x2e: {  	[sflag:s17] =	ssyncadd.s32 $0xFFFF9C00;
	s28 =	sadd.s32 $0x0, s31  }
0x2f: {  	[hbm4b:s28+s3] =	stream.linear.scatter [tilespmem:s16], [sflag:$0x2], $0x6400, $0x38;
	[tilespmem:$0xCC00] =	vst v63  }
0x30: {  	_ =	swait.ge [sflag:s21], $0x6400  }
0x31: {  	p0 =	por $0x0, $0x0;
	[sflag:s21] =	ssyncset.done $0x0  }
0x32: {  	s25 =	simm.s32 @!p0 $0x2;
	[sflag:s21] =	ssyncadd.s32 $0xFFFF9C00  }
0x33: {  	[tilespmem:s20], [sflag:$0x3] =	stream.indirect.gather.add.f32 [hbm:s2], $0x80, s19, s15, $0xb8;
	[tilespmem:$0xCC00] =	vst v63  }
0x34: {  	_ =	swait.ge @!p0 [sflag:s25], $0x6400  }
0x35: {  	s26 =	sshrl.u32 @!p0 s12, $0x3;
	s30 =	simm.s32 @!p0 $0x0;
	[sflag:s25] =	ssyncset.done @!p0 $0x0  }
0x36: {  	s29 =	sadd.s32 @!p0 s4, s26;
	[sflag:s25] =	ssyncadd.s32 @!p0 $0xFFFF9C00;
	s25 =	simm.s32 @!p0 $0x5  }
0x37: {  	[tilespmem:s30], [sflag:$0x5] =	stream.linear.gather @!p0 [hbm4b:s29+s30], $0xC8, $0x38;
	[tilespmem:$0xCC00] =	vst v63  }
0x38: {  	_ =	swait.ge @!p0 [sflag:s25], $0xC8  }
0x39: {  	[sflag:s25] =	ssyncset.done @!p0 $0x0  }
0x3a: {  	s26 =	sadd.s32 @!p0 s5, s26;
	s29 =	simm.s32 @!p0 $0x100;
	[sflag:s25] =	ssyncadd.s32 @!p0 $0xFFFFFF38  }
0x3b: {  	[tilespmem:s29], [sflag:$0x5] =	stream.linear.gather @!p0 [hbm4b:s26+s30], $0xC8, $0x38;
	[tilespmem:$0xCC00] =	vst v63  }
0x3c: {  	_ =	swait.ge @!p0 [sflag:s25], $0xC8  }
0x3d: {  	s26 =	simm.s32 @!p0 $0x200;
	[sflag:s25] =	ssyncset.done @!p0 $0x0  }
0x3e: {  	s29 =	simm.s32 @!p0 $0xC8;
	[sflag:s25] =	ssyncadd.s32 @!p0 $0xFFFFFF38;
	s25 =	simm.s32 $0x1900  }
0x3f: {  	[tilespmem:s26], [sflag:$0x1] =	stream.indirect.gather @!p0 [hbm4b:s6+s29], $0x80, s30, s29, $0xb8;
	[tilespmem:$0xCC00] =	vst v63  }
0x40: {  	s26 =	sadd.s32 $0x190, s12;
	s30 =	sadd.s32 $0xC80, s28;
	_ =	swait.ge [sflag:s21], $0x6400  }
0x41: {  	s28 =	sadd.s32 $0x32, s11;
	s29 =	smov.u32 s10;
	[sflag:s21] =	ssyncset.done $0x0  }
.LBB2_2:
0x42: {  	[sflag:s21] =	ssyncadd.s32 $0xFFFF9C00  }
0x43: {  	[hbm4b:s30+s3] =	stream.linear.scatter [tilespmem:s20], [sflag:$0x4], $0x6400, $0x38;
	[tilespmem:$0xCC00] =	vst v63  }
0x44: {  	s31 =	smov.u32 s25;
	_ =	swait.ge [sflag:s17], $0x6400  }
0x45: {  	p1 =	seq.s32 s31, $0x0;
	[sflag:s17] =	ssyncset.done $0x0  }
0x46: {  	s30 =	simm.s32 @!p1 $0x4;
	[sflag:s17] =	ssyncadd.s32 $0xFFFF9C00  }
0x47: {  	[tilespmem:s16], [sflag:$0x1] =	stream.indirect.gather.add.f32 [hbm:s2], $0x80, s14, s15, $0xb8;
	[tilespmem:$0xCC00] =	vst v63  }
0x48: {  	_ =	swait.ge @!p1 [sflag:s30], $0x6400  }
0x49: {  	[sflag:s30] =	ssyncset.done @!p1 $0x0  }
0x4a: {  	[sflag:s30] =	ssyncadd.s32 @!p1 $0xFFFF9C00  }
0x4b: {  	[tilespmem:s18], [sflag:$0x5] =	stream.linear.gather [hbm4b:s28+s3], $0xC8, $0x38;
	[tilespmem:$0xCC00] =	vst v63  }
0x4c: {  	_ =	swait.ge [sflag:s13], $0xC8  }
0x4d: {  	[sflag:s13] =	ssyncset.done $0x0  }
0x4e: {  	s29 =	sadd.s32 $0x32, s29;
	[sflag:s13] =	ssyncadd.s32 $0xFFFFFF38  }
0x4f: {  	[tilespmem:s19], [sflag:$0x5] =	stream.linear.gather [hbm4b:s29+s3], $0xC8, $0x38;
	[tilespmem:$0xCC00] =	vst v63  }
0x50: {  	_ =	swait.ge [sflag:s13], $0xC8  }
0x51: {  	[sflag:s13] =	ssyncset.done $0x0  }
0x52: {  	[sflag:s13] =	ssyncadd.s32 $0xFFFFFF38  }
0x53: {  	[tilespmem:s20], [sflag:$0x3] =	stream.indirect.gather [hbm4b:s6+s15], $0x80, s18, s15, $0xb8;
	[tilespmem:$0xCC00] =	vst v63  }
0x54: {  	_ =	swait.ge [sflag:s17], $0x6400  }
0x55: {  	[sflag:s17] =	ssyncset.done $0x0;
	s30 =	rddreg [dreg:$0x3]  }
0x56: {  	[sflag:s17] =	ssyncadd.s32 $0xFFFF9C00;
	s30 =	sadd.s32 s31, s30  }
0x57: {  	[hbm4b:s30+s3] =	stream.linear.scatter [tilespmem:s16], [sflag:$0x2], $0x6400, $0x38;
	[tilespmem:$0xCC00] =	vst v63  }
0x58: {  	_ =	swait.ge [sflag:s21], $0x6400  }
0x59: {  	p1 =	seq.s32 s31, $0x25800;
	[sflag:s21] =	ssyncset.done $0x0  }
0x5a: {  	s31 =	simm.s32 @!p1 $0x2;
	[sflag:s21] =	ssyncadd.s32 $0xFFFF9C00  }
0x5b: {  	[tilespmem:s20], [sflag:$0x3] =	stream.indirect.gather.add.f32 [hbm:s2], $0x80, s19, s15, $0xb8;
	[tilespmem:$0xCC00] =	vst v63  }
0x5c: {  	_ =	swait.ge @!p1 [sflag:s31], $0x6400  }
0x5d: {  	s0 =	sshrl.u32 @!p1 s26, $0x3;
	s7 =	simm.s32 @!p1 $0x0;
	[sflag:s31] =	ssyncset.done @!p1 $0x0  }
0x5e: {  	s1 =	sadd.s32 @!p1 s4, s0;
	[sflag:s31] =	ssyncadd.s32 @!p1 $0xFFFF9C00;
	s31 =	simm.s32 @!p1 $0x5  }
0x5f: {  	[tilespmem:s7], [sflag:$0x5] =	stream.linear.gather @!p1 [hbm4b:s1+s7], $0xC8, $0x38;
	[tilespmem:$0xCC00] =	vst v63  }
0x60: {  	_ =	swait.ge @!p1 [sflag:s31], $0xC8  }
0x61: {  	s25 =	sadd.s32 $0x1900, s25;
	[sflag:s31] =	ssyncset.done @!p1 $0x0  }
0x62: {  	s0 =	sadd.s32 @!p1 s5, s0;
	s1 =	simm.s32 @!p1 $0x100;
	[sflag:s31] =	ssyncadd.s32 @!p1 $0xFFFFFF38  }
0x63: {  	[tilespmem:s1], [sflag:$0x5] =	stream.linear.gather @!p1 [hbm4b:s0+s7], $0xC8, $0x38;
	[tilespmem:$0xCC00] =	vst v63  }
0x64: {  	p0 =	sne.s32 s25, $0x27100;
	_ =	swait.ge @!p1 [sflag:s31], $0xC8  }
.Ltmp0:
0x65: {  	[sflag:s31] =	ssyncset.done @!p1 $0x0;
	(pc) =	sbr.rel @p0 .LBB2_2-.Ltmp0, $4  }
0x66: {  	s0 =	simm.s32 @!p1 $0x200;
	s1 =	simm.s32 @!p1 $0xC8;
	[sflag:s31] =	ssyncadd.s32 @!p1 $0xFFFFFF38  }
0x67: {  	[tilespmem:s0], [sflag:$0x1] =	stream.indirect.gather @!p1 [hbm4b:s6+s1], $0x80, s7, s1, $0xb8;
	[tilespmem:$0xCC00] =	vst v63  }
0x68: {  	s26 =	sadd.s32 $0x190, s26;
	_ =	swait.ge [sflag:s21], $0x6400  }
0x69: {  	s28 =	sadd.s32 $0x32, s28;
	s30 =	sadd.s32 $0xC80, s30;
	[sflag:s21] =	ssyncset.done $0x0  }
0x6a: {  	[sflag:s21] =	ssyncadd.s32 $0xFFFF9C00;
	s24 =	sadd.s32 $0x1, s24  }
0x6b: {  	[hbm4b:s30+s3] =	stream.linear.scatter [tilespmem:s20], [sflag:$0x4], $0x6400, $0x38;
	[tilespmem:$0xCC00] =	vst v63  }
0x6c: {  	p0 =	sne.s32 s24, s9;
	_ =	swait.ge [sflag:s22], $0x6400  }
.Ltmp1:
0x6d: {  	[sflag:s22] =	ssyncset.done $0x0;
	(pc) =	sbr.rel @p0 .LBB2_1-.Ltmp1, $4  }
0x6e: {  	[sflag:s22] =	ssyncadd.s32 $0xFFFF9C00  }
0x6f: {  	_ =	swait.ge [sflag:s23], $0x6400  }
0x70: {  	[sflag:s23] =	ssyncset.done $0x0  }
0x71: {  	[sflag:s23] =	ssyncadd.s32 $0xFFFF9C00  }
0x72: {  	_ =	sfence.sel $0x180000  }
0x73: {  	[bflag:$0x0] =	sbarrier.arrive $0xFFFF  }
0x74: {  	_ =	strace $0x9000004A  }
0x75: {  	s0 =	stileid.u32;
	[bflag:$0x2] =	sbarrier.arrive $0xFFFF  }
0x76: {  	p0 =	sne.s32 s0, $0x0;
	s0 =	rddreg [dreg:$0x2]  }
0x77: {  	s0 =	sadd.s32 @!p0 $0x100000, s0  }
0x78: {  	[sflag:s0] =	ssyncadd.tile.s32 @!p0 $0x1;
	_ =	shalt  }
.Lfunc_end2:
_tile_overlayer_lowered:
.L_overlay_start_2:
0x79: {  	(tag) =	ssettag $0x2  }
0x7a: {  	s0 =	rddreg [dreg:$0x0];
	s2 =	stileid.u32  }
0x7b: {  	s1 =	rddreg [dreg:$0x1];
	p0 =	sne.s32 s2, $0x0  }
0x7c: {  	s3 =	rddreg [dreg:$0x2];
	[bflag:$0x3] =	sbarrier.arrive $0xFFFF;
	s2 =	simm.s32 @!p0 $0x1C05  }
0x7d: {  	[timem:s3], [sflag:s2] =	dma.local @!p0 [hbm:s0], s1  }
0x7e: {  	s0 =	simm.s32 @!p0 $0x5  }
0x7f: {  	_ =	swait.ge @!p0 [sflag:s0], s1  }
0x80: {  	s1 =	ssub.s32 @!p0 $0x0, s1;
	[sflag:s0] =	ssyncset.done @!p0 $0x0  }
0x81: {  	[sflag:s0] =	ssyncadd.s32 @!p0 s1  }
0x82: {  	[bflag:$0x3] =	sbarrier.arrive $0xFFFF  }
0x83: {  	_ =	shalt  }

// kernel: kernel.15.cloned.1.call-start
scs
__scs_entry_jumppad:
0x0: {  	(pc) =	sbr.rel $0x88, $3  }
0x1: {  	(tag) =	ssettag $0x0;
	lr =	simm.s32 $0x1  }
0x2: {  	[smem:$0x3F88] =	sst lr;
	_ =	strace $0xD0000000  }
0x3: {  	_ = 	snop  }
0x4: {  	_ = 	snop  }
0x5: {  	_ = 	snop  }
0x6: {  	_ = 	snop  }
0x7: {  	_ = 	snop  }
__scs_overlays_trampoline_lowered:
0x8: {  	[smem:$0x3F97] =	sst s0  }
0x9: {  	[smem:$0x3F98] =	sst s1  }
0xa: {  	[smem:$0x3F99] =	sst s2  }
0xb: {  	[smem:$0x3F9A] =	sst s3  }
0xc: {  	[smem:$0x3F9B] =	sst s4  }
0xd: {  	[smem:$0x3F9C] =	sst s5  }
0xe: {  	[smem:$0x3F9D] =	sst s6  }
0xf: {  	[smem:$0x3F9E] =	sst s7  }
0x10: {  	[smem:$0x3F9F] =	sst s8  }
0x11: {  	[smem:$0x3FA0] =	sst s9;
	s0 =	simm.s32 @!p0 $0x0  }
0x12: {  	s1 =	sld [smem:$0x3F86];
	s0 =	simm.s32 @p0 $0x1  }
0x13: {  	[smem:$0x3FA1] =	sst s0;
	s0 =	simm.s32 @!p1 $0x0  }
0x14: {  	s2 =	sld [smem:$0x3F85];
	s0 =	simm.s32 @p1 $0x1  }
0x15: {  	[smem:$0x3FA2] =	sst s0;
	s0 =	simm.s32 @!p2 $0x0  }
0x16: {  	s3 =	sld [smem:$0x3FDB];
	s0 =	simm.s32 @p2 $0x1  }
0x17: {  	s4 =	simm.s32 $0x1BF5;
	[smem:$0x3FA4] =	sst s0  }
0x18: {  	s0 =	sld [smem:$0x3F87];
	_ =	swait.ge [sflag:s4], $0x0  }
0x19: {  	s7 =	sld [smem:$0x3F88]  }
0x1a: {  	s8 =	sadd.s32 $0xFFFFE003, lr  }
0x1b: {  	s9 =	sadd.s32 $0xFFFFFEF7, lr;
	s5 =	simm.s32 $0xFFFFFFFF;
	p2 =	slt.u32 s8, $0xFFFFF086  }
0x1c: {  	p1 =	slt.u32 s9, $0xF7A;
	s5 =	simm.s32 @!p2 $0x0  }
0x1d: {  	s5 =	simm.s32 @p1 $0x1;
	p0 =	seq.s32 s7, s2  }
0x1e: {  	s7 =	smul.u32 @!p0 $0xF7A, s2;
	p2 =	seq.s32 @!p0 s5, $0x0  }
0x1f: {  	s9 =	smul.u32 $0xF7A, s1;
	s8 =	simm.s32 @!p0 $0x1BF5;
	p2 =	por !p2, p0  }
0x20: {  	[sflag:s8] =	ssyncset.s32 @!p0 $0xFFFFF086;
	s6 =	sadd.s32 @!p0 s3, s7;
	s7 =	simm.s32 @!p0 $0x108  }
0x21: {  	s3 =	sadd.s32 s3, s9;
	s6 =	sadd.s32 @!p0 $0x88, s6;
	s7 =	simm.s32 @p2 $0x1082  }
0x22: {  	[simem:s7], [sflag:s8] =	dma.local @!p0 [hbm:s6], $0xF7A  }
0x23: {  	s9 =	sor.u32 $0xD0000000, s2;
	s6 =	simm.s32 $0x108;
	_ =	swait.ge @!p0 [sflag:s8], $0x0  }
0x24: {  	s3 =	sadd.s32 $0x88, s3;
	s6 =	simm.s32 @!p1 $0x1082;
	[sflag:s4] =	ssyncset.s32 $0xFFFFF086  }
0x25: {  	[simem:s6], [sflag:s4] =	dma.local [hbm:s3], $0xF7A  }
0x26: {  	[smem:$0x3F88] =	sst s1;
	(tag) =	ssettag s2;
	_ =	strace s9  }
0x27: {  	s1 =	sld [smem:$0x3F98]  }
0x28: {  	s2 =	sld [smem:$0x3F99]  }
0x29: {  	s4 =	sld [smem:$0x3F9B]  }
0x2a: {  	p0 =	seq.s32 s5, $0x0;
	s5 =	sld [smem:$0x3F9C]  }
0x2b: {  	s6 =	sld [smem:$0x3F9D]  }
0x2c: {  	s7 =	sld [smem:$0x3F9E]  }
0x2d: {  	s3 =	simm.s32 $0x108;
	s8 =	sld [smem:$0x3F9F]  }
0x2e: {  	s3 =	simm.s32 @!p0 $0x1082;
	s9 =	sld [smem:$0x3FA0]  }
0x2f: {  	lr =	sadd.s32 s0, s3;
	s0 =	sld [smem:$0x3F97]  }
0x30: {  	s3 =	sld [smem:$0x3F9A]  }
0x31: {  	[smem:$0x3FA3] =	sst s10  }
0x32: {  	s10 =	sld [smem:$0x3FA1];
	_ =	sdelay $0x3  }
0x33: {  	p0 =	seq.s32 s10, $0x1;
	s10 =	sld [smem:$0x3FA3];
	_ =	sdelay $0x3  }
0x34: {  	[smem:$0x3FA3] =	sst s10  }
0x35: {  	s10 =	sld [smem:$0x3FA2];
	_ =	sdelay $0x3  }
0x36: {  	p1 =	seq.s32 s10, $0x1;
	s10 =	sld [smem:$0x3FA3];
	_ =	sdelay $0x3  }
0x37: {  	[smem:$0x3FA3] =	sst s10  }
0x38: {  	s10 =	sld [smem:$0x3FA4]  }
0x39: {  	_ = 	snop;
	(pc) =	sbr.ind lr, $3  }
0x3a: {  	_ = 	snop  }
0x3b: {  	_ = 	snop  }
0x3c: {  	p2 =	seq.s32 s10, $0x1;
	s10 =	sld [smem:$0x3FA3]  }
0x3d: {  	_ =	shalt  }
0x3e: {  	_ =	shalt  }
0x3f: {  	_ =	shalt  }
0x40: {  	_ =	shalt  }
0x41: {  	_ =	shalt  }
0x42: {  	_ =	shalt  }
0x43: {  	_ =	shalt  }
0x44: {  	_ =	shalt  }
0x45: {  	_ =	shalt  }
0x46: {  	_ =	shalt  }
0x47: {  	_ =	shalt  }
0x48: {  	_ =	shalt  }
0x49: {  	_ =	shalt  }
0x4a: {  	_ =	shalt  }
0x4b: {  	_ =	shalt  }
0x4c: {  	_ =	shalt  }
0x4d: {  	_ =	shalt  }
0x4e: {  	_ =	shalt  }
0x4f: {  	_ =	shalt  }
0x50: {  	_ =	shalt  }
0x51: {  	_ =	shalt  }
0x52: {  	_ =	shalt  }
0x53: {  	_ =	shalt  }
0x54: {  	_ =	shalt  }
0x55: {  	_ =	shalt  }
0x56: {  	_ =	shalt  }
0x57: {  	_ =	shalt  }
0x58: {  	_ =	shalt  }
0x59: {  	_ =	shalt  }
0x5a: {  	_ =	shalt  }
0x5b: {  	_ =	shalt  }
0x5c: {  	_ =	shalt  }
0x5d: {  	_ =	shalt  }
0x5e: {  	_ =	shalt  }
0x5f: {  	_ =	shalt  }
0x60: {  	_ =	shalt  }
0x61: {  	_ =	shalt  }
0x62: {  	_ =	shalt  }
0x63: {  	_ =	shalt  }
0x64: {  	_ =	shalt  }
0x65: {  	_ =	shalt  }
0x66: {  	_ =	shalt  }
0x67: {  	_ =	shalt  }
0x68: {  	_ =	shalt  }
0x69: {  	_ =	shalt  }
0x6a: {  	_ =	shalt  }
0x6b: {  	_ =	shalt  }
0x6c: {  	_ =	shalt  }
0x6d: {  	_ =	shalt  }
0x6e: {  	_ =	shalt  }
0x6f: {  	_ =	shalt  }
0x70: {  	_ =	shalt  }
0x71: {  	_ =	shalt  }
0x72: {  	_ =	shalt  }
0x73: {  	_ =	shalt  }
0x74: {  	_ =	shalt  }
0x75: {  	_ =	shalt  }
0x76: {  	_ =	shalt  }
0x77: {  	_ =	shalt  }
0x78: {  	_ =	shalt  }
0x79: {  	_ =	shalt  }
0x7a: {  	_ =	shalt  }
0x7b: {  	_ =	shalt  }
0x7c: {  	_ =	shalt  }
0x7d: {  	_ =	shalt  }
0x7e: {  	_ =	shalt  }
0x7f: {  	_ =	shalt  }
0x80: {  	_ =	shalt  }
0x81: {  	_ =	shalt  }
0x82: {  	_ =	shalt  }
0x83: {  	_ =	shalt  }
0x84: {  	_ =	shalt  }
0x85: {  	_ =	shalt  }
0x86: {  	_ =	shalt  }
0x87: {  	_ =	shalt  }
.Lfunc_end0:
.L_simem_size_0:
called_computation.2_lowered:
.L_overlay_start_0:
0x88: {  	s2 =	sld [smem:$0x3FD9]  }
0x89: {  	s3 =	sld [smem:$0x3FFE];
	_ =	sdelay $0x1  }
0x8a: {  	s1 =	srdreg.scid  }
0x8b: {  	s0 =	sand.u32 $0x1, s1  }
0x8c: {  	s17 =	sshll.u32 s0, $0xA;
	s2 =	sadd.s32 s3, s2  }
0x8d: {  	s2 =	sadd.s32 s2, s17  }
0x8e: {  	[smem:$0x3FAF] =	sst s2  }
0x8f: {  	_ = 	snop  }
0x90: {  	s2 =	sld [smem:$0x3FD0];
	(tm) =	ssettm $0x1  }
0x91: {  	s18 =	sld [smem:$0x3FFB];
	_ =	sdelay $0x3  }
0x92: {  	_ =	strace s18  }
0x93: {  	s3 =	sld [smem:$0x3FFC];
	_ =	sdelay $0x3  }
0x94: {  	_ =	strace s3  }
0x95: {  	s3 =	sld [smem:$0x3FFD];
	_ =	sdelay $0x3  }
0x96: {  	_ =	strace s3  }
0x97: {  	_ =	strace $0x8FFFFFFF  }
0x98: {  	s19 =	sld [smem:$0x3FDB];
	_ =	sdelay $0x1  }
0x99: {  	s4 =	simm.s32 $_scs_section_size  }
0x9a: {  	s5 =	simm.s32 $_size__tile_overlayer_lowered;
	s6 =	simm.s32 $_tile_overlayer_lowered  }
0x9b: {  	s22 =	simm.s32 $0x1BFF;
	s21 =	sshll.u32 s6, $0x1;
	s3 =	sadd.s32 s4, s19  }
0x9c: {  	s7 =	simm.s32 $0x0;
	s20 =	sshll.u32 s5, $0x1;
	s5 =	sadd.s32 s21, s3  }
0x9d: {  	[timem:s7], [sflag:s22] =	dma.local [hbm:s5], s20  }
0x9e: {  	_ =	swait.ge [sflag:s22], s20  }
0x9f: {  	s4 =	ssub.s32 $0x0, s20;
	[sflag:s22] =	ssyncset.done $0x0  }
0xa0: {  	[sflag:s22] =	ssyncadd.s32 s4;
	_ =	sdelay $0x1  }
0xa1: {  	s23 =	simm.s32 $0x1B8B  }
0xa2: {  	_ =	swait.ge [sflag:s23], $0x1  }
0xa3: {  	[sflag:s23] =	ssyncset.done $0x0  }
0xa4: {  	s25 =	simm.s32 $0x1B8E;
	s24 =	sld [smem:$0x3FFE];
	[sflag:s23] =	ssyncadd.s32 $0xFFFFFFFF  }
0xa5: {  	s26 =	simm.s32 $execute0_lowered;
	[smem:$0x3FD2] =	sst s25  }
0xa6: {  	s5 =	sshll.u32 s26, $0x1;
	_ =	strace $0x8000004C;
	[dreg:$0x1] =	wrdreg $0xFFFFFFFF  }
0xa7: {  	s28 =	simm.s32 $_size_execute0_lowered;
	s3 =	sadd.s32 s3, s5;
	[dreg:$0x0] =	wrdreg $0x0  }
0xa8: {  	s5 =	sshll.u32 s28, $0x1;
	[dreg:$0x2] =	wrdreg s3  }
0xa9: {  	[dreg:$0x3] =	wrdreg s5  }
0xaa: {  	[dreg:$0x4] =	wrdreg $0xC0  }
0xab: {  	_ =	task [dreg:s7], $0x5FFFF  }
0xac: {  	[dreg:$0x1] =	wrdreg $0xFFFFFFFF  }
0xad: {  	[dreg:$0x0] =	wrdreg $0x60  }
0xae: {  	[dreg:$0x2] =	wrdreg s24  }
0xaf: {  	[dreg:$0x3] =	wrdreg s2  }
0xb0: {  	[dreg:$0x4] =	wrdreg $0x51000  }
0xb1: {  	[dreg:$0x5] =	wrdreg $0x9  }
0xb2: {  	_ =	task.clear_ibuf [dreg:s7], $0x6FFFF;
	_ =	strace $0x9000004C  }
0xb3: {  	s29 =	simm.s32 $0x9;
	_ =	strace $0x8000004E  }
0xb4: {  	_ =	swait.ge [sflag:s29], $0x1  }
0xb5: {  	[sflag:s29] =	ssyncadd.s32 $0xFFFFFFFF  }
0xb6: {  	_ =	strace $0x9000004E  }
0xb7: {  	_ =	sfence  }
0xb8: {  	s30 =	sld [smem:$0x0];
	_ =	sdelay $0x2  }
0xb9: {  	s31 =	sshll.u32 s1, $0xD;
	s1 =	sshrl.u32 s1, $0x2  }
0xba: {  	s3 =	sand.u32 $0x4000, s31;
	s1 =	sadd.s32 s1, s30  }
0xbb: {  	s0 =	sor.u32 s3, s0;
	s1 =	sshll.u32 s1, $0x11  }
0xbc: {  	s0 =	sor.u32 s1, s0  }
0xbd: {  	s0 =	sadd.s32 $0x8F2B, s0  }
0xbe: {  	[sflag:s0] =	ssyncadd.remote.s32 $0x1  }
0xbf: {  	_ =	sfence.sel $0xFFFF  }
0xc0: {  	[dreg:$0x0] =	wrdreg $0xFFFFFFFF;
	(pc) =	sbr.abs _section_cstart, $3  }
0xc1: {  	[dreg:$0x1] =	wrdreg $0xFFFFFFFF  }
0xc2: {  	_ =	task.clear_ibuf [dreg:s7], $0x2FFFF;
	_ =	strace $0x9FFFFFFF  }
0xc3: {  	(tm) =	ssettm $0x7FFFFFFF  }
tec
execute0_lowered:
.L_overlay_start_1:
0x0: {  	(tag) =	ssettag $0x1  }
0x1: {  	s2 =	srdreg.scid  }
0x2: {  	s4 =	rddreg [dreg:$0x0];
	s10 =	sand.u32 $0x1, s2  }
0x3: {  	s2 =	stileid.u32;
	s6 =	smul.u32 $0x138800, s10  }
0x4: {  	s5 =	rddreg [dreg:$0x1];
	s7 =	smul.u32 $0x1F400, s2  }
0x5: {  	s1 =	rddreg [dreg:$0x2];
	s3 =	simm.s32 $0x0;
	s9 =	smul.u32 $0x7D000, s2  }
0x6: {  	[smem:$0x7FF] =	sst s3;
	s15 =	sadd.s32 $0xEA00, s4;
	s21 =	smul.u32 $0x3E80, s2  }
0x7: {  	s12 =	sadd.s32 $0x18800, s4;
	s8 =	sshll.u32 s2, $0x1;
	s18 =	smul.u32 $0x4E200, s2  }
0x8: {  	_ =	strace $0x8000004D;
	s24 =	smul.u32 $0x4E20, s2;
	s8 =	sor.u32 s10, s8  }
0x9: {  	s20 =	ssub.s32 $0x2, s10;
	p0 =	sgt.u32 s2, $0x9;
	s19 =	smul.u32 $0x2710, s8  }
0xa: {  	s13 =	sshrl.u32 s20, $0x1;
	s6 =	sadd.s32 s7, s6;
	s8 =	smul.u32 $0x27100, s8  }
0xb: {  	s9 =	sshrl.u32 s9, $0x2;
	s13 =	ssub.s32 s20, s13;
	s20 =	smul.u32 $0x2710, s10  }
0xc: {  	s28 =	sadd.s32 s18, s12;
	s18 =	sshll.u32 @!p0 s2, $0x6;
	s6 =	sshrl.u32 s6, $0x3  }
0xd: {  	s17 =	sadd.s32 s9, s1;
	s11 =	sadd.s32 s6, s4;
	s22 =	sshrl.u32 s19, $0x3  }
0xe: {  	s4 =	sadd.s32 s5, s21;
	s6 =	sadd.s32 s12, s8;
	s14 =	sadd.s32 $0x50, s19  }
0xf: {  	s16 =	sadd.s32 $0xA0, s19;
	s19 =	smul.u32 $0x27100, s10;
	s8 =	smax.u32 s13, $0x1  }
0x10: {  	s29 =	sadd.s32 s20, s24;
	s17 =	sshrl.u32 @!p0 s17, $0x3;
	s20 =	simm.s32 $0x50  }
0x11: {  	s21 =	simm.s32 $0x2880;
	s24 =	simm.s32 $0x2;
	s5 =	sadd.s32 s15, s22  }
0x12: {  	s7 =	sadd.s32 $0x4FA800, s11;
	s23 =	sshrl.u32 s14, $0x3;
	s25 =	sshll.u32 s14, $0x4  }
0x13: {  	s26 =	sshrl.u32 s16, $0x3;
	s16 =	sshll.u32 s16, $0x4;
	s30 =	sadd.s32 $0x140, s29  }
0x14: {  	s31 =	sadd.s32 $0xF0, s29;
	s22 =	simm.s32 $0x2900;
	s9 =	sadd.s32 s15, s23  }
0x15: {  	s10 =	sadd.s32 s12, s25;
	s11 =	sadd.s32 s15, s26;
	s14 =	sadd.s32 s19, s28  }
0x16: {  	s12 =	sadd.s32 s12, s16;
	s16 =	sshrl.u32 s31, $0x3;
	s19 =	simm.s32 $0x1  }
0x17: {  	s23 =	simm.s32 $0x3;
	s13 =	sadd.s32 $0x1400, s14;
	s14 =	sshrl.u32 s30, $0x3  }
0x18: {  	s25 =	simm.s32 $0x4;
	s26 =	simm.s32 $0x0;
	s14 =	sadd.s32 s14, s15  }
0x19: {  	s15 =	sadd.s32 s16, s15;
	s16 =	sor.u32 @!p0 $0x1C05, s18;
	s18 =	simm.s32 $0x80  }
.LBB2_1:
0x1a: {  	[spmem:s17], [sflag:s16] =	dma.local @!p0 [hbm:s4], $0x3E80  }
0x1b: {  	s28 =	simm.s32 @!p0 $0x5  }
0x1c: {  	_ =	swait.ge @!p0 [sflag:s28], $0x3E80  }
0x1d: {  	[sflag:s28] =	ssyncset.done @!p0 $0x0  }
0x1e: {  	[sflag:s28] =	ssyncadd.s32 @!p0 $0xFFFFC180  }
0x1f: {  	[bflag:$0x0] =	sbarrier.arrive $0xFFFF  }
0x20: {  	[tilespmem:s3], [sflag:$0x1] =	stream.linear.gather [hbm4b:s5+s3], $0x50, $0x38;
	[tilespmem:$0x18980] =	vst v63  }
0x21: {  	_ = 	snop  }
0x22: {  	[tilespmem:s18], [sflag:$0x1] =	stream.linear.gather [hbm4b:s6+s3], $0x2800, $0x38;
	[tilespmem:$0x18980] =	vst v63  }
0x23: {  	_ =	swait.ge [sflag:s19], $0x50  }
0x24: {  	[sflag:s19] =	ssyncset.done $0x0  }
0x25: {  	[sflag:s19] =	ssyncadd.s32 $0xFFFFFFB0  }
0x26: {  	_ =	swait.ge [sflag:s19], $0x2800  }
0x27: {  	[sflag:s19] =	ssyncset.done $0x0  }
0x28: {  	[sflag:s19] =	ssyncadd.s32 $0xFFFFD800  }
0x29: {  	[spmem:s1] =	stream.indirect.scatter.add.f32 [tilespmem:s18], [sflag:$0x2], $0x80, s3, s20, $0xb8;
	[tilespmem:$0x18980] =	vst v63  }
0x2a: {  	_ = 	snop  }
0x2b: {  	[tilespmem:s21], [sflag:$0x3] =	stream.linear.gather [hbm4b:s9+s3], $0x50, $0x38;
	[tilespmem:$0x18980] =	vst v63  }
0x2c: {  	_ = 	snop  }
0x2d: {  	[tilespmem:s22], [sflag:$0x3] =	stream.linear.gather [hbm4b:s10+s3], $0x2800, $0x38;
	[tilespmem:$0x18980] =	vst v63  }
0x2e: {  	_ =	swait.ge [sflag:s23], $0x50  }
0x2f: {  	[sflag:s23] =	ssyncset.done $0x0  }
0x30: {  	[sflag:s23] =	ssyncadd.s32 $0xFFFFFFB0  }
0x31: {  	_ =	swait.ge [sflag:s23], $0x2800  }
0x32: {  	[sflag:s23] =	ssyncset.done $0x0  }
0x33: {  	[sflag:s23] =	ssyncadd.s32 $0xFFFFD800  }
0x34: {  	[spmem:s1] =	stream.indirect.scatter.add.f32 [tilespmem:s22], [sflag:$0x4], $0x80, s21, s20, $0xb8;
	[tilespmem:$0x18980] =	vst v63  }
0x35: {  	_ =	swait.ge [sflag:s24], $0x2800  }
0x36: {  	[sflag:s24] =	ssyncset.done $0x0  }
0x37: {  	[sflag:s24] =	ssyncadd.s32 $0xFFFFD800  }
0x38: {  	[tilespmem:s3], [sflag:$0x1] =	stream.linear.gather [hbm4b:s11+s3], $0x50, $0x38;
	[tilespmem:$0x18980] =	vst v63  }
0x39: {  	_ = 	snop  }
0x3a: {  	[tilespmem:s18], [sflag:$0x1] =	stream.linear.gather [hbm4b:s12+s3], $0x2800, $0x38;
	[tilespmem:$0x18980] =	vst v63  }
0x3b: {  	_ =	swait.ge [sflag:s19], $0x50  }
0x3c: {  	[sflag:s19] =	ssyncset.done $0x0  }
0x3d: {  	[sflag:s19] =	ssyncadd.s32 $0xFFFFFFB0  }
0x3e: {  	_ =	swait.ge [sflag:s19], $0x2800  }
0x3f: {  	[sflag:s19] =	ssyncset.done $0x0  }
0x40: {  	[sflag:s19] =	ssyncadd.s32 $0xFFFFD800  }
0x41: {  	[spmem:s1] =	stream.indirect.scatter.add.f32 [tilespmem:s18], [sflag:$0x2], $0x80, s3, s20, $0xb8;
	[tilespmem:$0x18980] =	vst v63  }
0x42: {  	_ =	swait.ge [sflag:s25], $0x2800  }
0x43: {  	[sflag:s25] =	ssyncset.done $0x0  }
0x44: {  	s28 =	sadd.s32 $0x0, s15;
	[sflag:s25] =	ssyncadd.s32 $0xFFFFD800  }
0x45: {  	[tilespmem:s21], [sflag:$0x3] =	stream.linear.gather [hbm4b:s28+s3], $0x50, $0x38;
	[tilespmem:$0x18980] =	vst v63  }
0x46: {  	s28 =	sadd.s32 $0xFFFFFB00, s13  }
0x47: {  	[tilespmem:s22], [sflag:$0x3] =	stream.linear.gather [hbm4b:s28+s3], $0x2800, $0x38;
	[tilespmem:$0x18980] =	vst v63  }
0x48: {  	_ =	swait.ge [sflag:s23], $0x50  }
0x49: {  	[sflag:s23] =	ssyncset.done $0x0  }
0x4a: {  	[sflag:s23] =	ssyncadd.s32 $0xFFFFFFB0  }
0x4b: {  	_ =	swait.ge [sflag:s23], $0x2800  }
0x4c: {  	[sflag:s23] =	ssyncset.done $0x0  }
0x4d: {  	[sflag:s23] =	ssyncadd.s32 $0xFFFFD800  }
0x4e: {  	[spmem:s1] =	stream.indirect.scatter.add.f32 [tilespmem:s22], [sflag:$0x4], $0x80, s21, s20, $0xb8;
	[tilespmem:$0x18980] =	vst v63  }
0x4f: {  	_ =	swait.ge [sflag:s24], $0x2800  }
0x50: {  	[sflag:s24] =	ssyncset.done $0x0  }
0x51: {  	s28 =	sadd.s32 $0x0, s14;
	[sflag:s24] =	ssyncadd.s32 $0xFFFFD800  }
0x52: {  	[tilespmem:s3], [sflag:$0x1] =	stream.linear.gather [hbm4b:s28+s3], $0x50, $0x38;
	[tilespmem:$0x18980] =	vst v63  }
0x53: {  	s29 =	sadd.s32 $0xA00, s13;
	s30 =	smov.u32 s13;
	s28 =	simm.s32 $0x14  }
.LBB2_2:
0x54: {  	[tilespmem:s18], [sflag:$0x1] =	stream.linear.gather [hbm4b:s30+s3], $0x2800, $0x38;
	[tilespmem:$0x18980] =	vst v63  }
0x55: {  	s31 =	smov.u32 s28;
	s30 =	smov.u32 s29  }
0x56: {  	p1 =	sne.s32 s28, $0x4B0;
	s28 =	sadd.s32 $0x14, s28;
	_ =	swait.ge [sflag:s19], $0x50  }
0x57: {  	[sflag:s19] =	ssyncset.done $0x0  }
0x58: {  	[sflag:s19] =	ssyncadd.s32 $0xFFFFFFB0  }
0x59: {  	_ =	swait.ge [sflag:s19], $0x2800  }
0x5a: {  	[sflag:s19] =	ssyncset.done $0x0  }
0x5b: {  	[sflag:s19] =	ssyncadd.s32 $0xFFFFD800  }
0x5c: {  	[spmem:s1] =	stream.indirect.scatter.add.f32 [tilespmem:s18], [sflag:$0x2], $0x80, s3, s20, $0xb8;
	[tilespmem:$0x18980] =	vst v63  }
0x5d: {  	_ =	swait.ge [sflag:s25], $0x2800  }
0x5e: {  	[sflag:s25] =	ssyncset.done $0x0  }
0x5f: {  	s0 =	sadd.s32 s31, s15;
	[sflag:s25] =	ssyncadd.s32 $0xFFFFD800  }
0x60: {  	[tilespmem:s21], [sflag:$0x3] =	stream.linear.gather [hbm4b:s0+s3], $0x50, $0x38;
	[tilespmem:$0x18980] =	vst v63  }
0x61: {  	s0 =	sadd.s32 $0xFFFFFB00, s29  }
0x62: {  	[tilespmem:s22], [sflag:$0x3] =	stream.linear.gather [hbm4b:s0+s3], $0x2800, $0x38;
	[tilespmem:$0x18980] =	vst v63  }
0x63: {  	_ =	swait.ge [sflag:s23], $0x50  }
0x64: {  	[sflag:s23] =	ssyncset.done $0x0  }
0x65: {  	[sflag:s23] =	ssyncadd.s32 $0xFFFFFFB0  }
0x66: {  	_ =	swait.ge [sflag:s23], $0x2800  }
0x67: {  	[sflag:s23] =	ssyncset.done $0x0  }
0x68: {  	[sflag:s23] =	ssyncadd.s32 $0xFFFFD800  }
0x69: {  	[spmem:s1] =	stream.indirect.scatter.add.f32 [tilespmem:s22], [sflag:$0x4], $0x80, s21, s20, $0xb8;
	[tilespmem:$0x18980] =	vst v63  }
.Ltmp0:
0x6a: {  	_ =	swait.ge [sflag:s24], $0x2800;
	(pc) =	sbr.rel @p1 .LBB2_2-.Ltmp0, $4  }
0x6b: {  	[sflag:s24] =	ssyncset.done $0x0  }
0x6c: {  	s0 =	sadd.s32 s31, s14;
	[sflag:s24] =	ssyncadd.s32 $0xFFFFD800  }
0x6d: {  	[tilespmem:s3], [sflag:$0x1] =	stream.linear.gather [hbm4b:s0+s3], $0x50, $0x38;
	[tilespmem:$0x18980] =	vst v63  }
0x6e: {  	s29 =	sadd.s32 $0xA00, s29  }
0x6f: {  	[tilespmem:s18], [sflag:$0x1] =	stream.linear.gather [hbm4b:s30+s3], $0x2800, $0x38;
	[tilespmem:$0x18980] =	vst v63  }
0x70: {  	_ =	swait.ge [sflag:s19], $0x50  }
0x71: {  	[sflag:s19] =	ssyncset.done $0x0  }
0x72: {  	[sflag:s19] =	ssyncadd.s32 $0xFFFFFFB0  }
0x73: {  	_ =	swait.ge [sflag:s19], $0x2800  }
0x74: {  	[sflag:s19] =	ssyncset.done $0x0  }
0x75: {  	[sflag:s19] =	ssyncadd.s32 $0xFFFFD800  }
0x76: {  	[spmem:s1] =	stream.indirect.scatter.add.f32 [tilespmem:s18], [sflag:$0x2], $0x80, s3, s20, $0xb8;
	[tilespmem:$0x18980] =	vst v63  }
0x77: {  	_ =	swait.ge [sflag:s24], $0x2800  }
0x78: {  	[sflag:s24] =	ssyncset.done $0x0  }
0x79: {  	[sflag:s24] =	ssyncadd.s32 $0xFFFFD800  }
0x7a: {  	_ =	swait.ge [sflag:s25], $0x2800  }
0x7b: {  	s26 =	sadd.s32 $0x1, s26;
	[sflag:s25] =	ssyncset.done $0x0  }
0x7c: {  	p1 =	sne.s32 s26, s8;
	[sflag:s25] =	ssyncadd.s32 $0xFFFFD800  }
.Ltmp1:
0x7d: {  	s0 =	simm.s32 @!p0 $0x5;
	[bflag:$0x0] =	sbarrier.arrive $0xFFFF;
	(pc) =	sbr.rel @p1 .LBB2_1-.Ltmp1, $4  }
0x7e: {  	[hbm:s7], [sflag:s16] =	dma.local @!p0 [spmem:s17], $0x3E80  }
0x7f: {  	_ =	swait.ge @!p0 [sflag:s0], $0x3E80  }
0x80: {  	[sflag:s0] =	ssyncset.done @!p0 $0x0  }
0x81: {  	[sflag:s0] =	ssyncadd.s32 @!p0 $0xFFFFC180  }
0x82: {  	_ =	sfence.sel $0x180000  }
0x83: {  	[bflag:$0x0] =	sbarrier.arrive $0xFFFF  }
0x84: {  	_ =	strace $0x9000004D  }
0x85: {  	[bflag:$0x2] =	sbarrier.arrive $0xFFFF  }
0x86: {  	p0 =	sne.s32 s2, $0x0;
	s0 =	rddreg [dreg:$0x3]  }
0x87: {  	s0 =	sadd.s32 @!p0 $0x100000, s0  }
0x88: {  	[sflag:s0] =	ssyncadd.tile.s32 @!p0 $0x1;
	_ =	shalt  }
.Lfunc_end2:
_tile_overlayer_lowered:
.L_overlay_start_2:
0x89: {  	(tag) =	ssettag $0x2  }
0x8a: {  	s0 =	rddreg [dreg:$0x0];
	s2 =	stileid.u32  }
0x8b: {  	s1 =	rddreg [dreg:$0x1];
	p0 =	sne.s32 s2, $0x0  }
0x8c: {  	s3 =	rddreg [dreg:$0x2];
	[bflag:$0x3] =	sbarrier.arrive $0xFFFF;
	s2 =	simm.s32 @!p0 $0x1C05  }
0x8d: {  	[timem:s3], [sflag:s2] =	dma.local @!p0 [hbm:s0], s1  }
0x8e: {  	s0 =	simm.s32 @!p0 $0x5  }
0x8f: {  	_ =	swait.ge @!p0 [sflag:s0], s1  }
0x90: {  	s1 =	ssub.s32 @!p0 $0x0, s1;
	[sflag:s0] =	ssyncset.done @!p0 $0x0  }
0x91: {  	[sflag:s0] =	ssyncadd.s32 @!p0 s1  }
0x92: {  	[bflag:$0x3] =	sbarrier.arrive $0xFFFF  }
0x93: {  	_ =	shalt  }

// kernel: kernel.9.cloned.1.call-start
scs
__scs_entry_jumppad:
0x0: {  	(pc) =	sbr.rel $0x88, $3  }
0x1: {  	(tag) =	ssettag $0x0;
	lr =	simm.s32 $0x1  }
0x2: {  	[smem:$0x3F88] =	sst lr;
	_ =	strace $0xD0000000  }
0x3: {  	_ = 	snop  }
0x4: {  	_ = 	snop  }
0x5: {  	_ = 	snop  }
0x6: {  	_ = 	snop  }
0x7: {  	_ = 	snop  }
__scs_overlays_trampoline_lowered:
0x8: {  	[smem:$0x3F97] =	sst s0  }
0x9: {  	[smem:$0x3F98] =	sst s1  }
0xa: {  	[smem:$0x3F99] =	sst s2  }
0xb: {  	[smem:$0x3F9A] =	sst s3  }
0xc: {  	[smem:$0x3F9B] =	sst s4  }
0xd: {  	[smem:$0x3F9C] =	sst s5  }
0xe: {  	[smem:$0x3F9D] =	sst s6  }
0xf: {  	[smem:$0x3F9E] =	sst s7  }
0x10: {  	[smem:$0x3F9F] =	sst s8  }
0x11: {  	[smem:$0x3FA0] =	sst s9;
	s0 =	simm.s32 @!p0 $0x0  }
0x12: {  	s1 =	sld [smem:$0x3F86];
	s0 =	simm.s32 @p0 $0x1  }
0x13: {  	[smem:$0x3FA1] =	sst s0;
	s0 =	simm.s32 @!p1 $0x0  }
0x14: {  	s2 =	sld [smem:$0x3F85];
	s0 =	simm.s32 @p1 $0x1  }
0x15: {  	[smem:$0x3FA2] =	sst s0;
	s0 =	simm.s32 @!p2 $0x0  }
0x16: {  	s3 =	sld [smem:$0x3FDB];
	s0 =	simm.s32 @p2 $0x1  }
0x17: {  	s4 =	simm.s32 $0x1BF5;
	[smem:$0x3FA4] =	sst s0  }
0x18: {  	s0 =	sld [smem:$0x3F87];
	_ =	swait.ge [sflag:s4], $0x0  }
0x19: {  	s7 =	sld [smem:$0x3F88]  }
0x1a: {  	s8 =	sadd.s32 $0xFFFFE003, lr  }
0x1b: {  	s9 =	sadd.s32 $0xFFFFFEF7, lr;
	s5 =	simm.s32 $0xFFFFFFFF;
	p2 =	slt.u32 s8, $0xFFFFF086  }
0x1c: {  	p1 =	slt.u32 s9, $0xF7A;
	s5 =	simm.s32 @!p2 $0x0  }
0x1d: {  	s5 =	simm.s32 @p1 $0x1;
	p0 =	seq.s32 s7, s2  }
0x1e: {  	s7 =	smul.u32 @!p0 $0xF7A, s2;
	p2 =	seq.s32 @!p0 s5, $0x0  }
0x1f: {  	s9 =	smul.u32 $0xF7A, s1;
	s8 =	simm.s32 @!p0 $0x1BF5;
	p2 =	por !p2, p0  }
0x20: {  	[sflag:s8] =	ssyncset.s32 @!p0 $0xFFFFF086;
	s6 =	sadd.s32 @!p0 s3, s7;
	s7 =	simm.s32 @!p0 $0x108  }
0x21: {  	s3 =	sadd.s32 s3, s9;
	s6 =	sadd.s32 @!p0 $0x88, s6;
	s7 =	simm.s32 @p2 $0x1082  }
0x22: {  	[simem:s7], [sflag:s8] =	dma.local @!p0 [hbm:s6], $0xF7A  }
0x23: {  	s9 =	sor.u32 $0xD0000000, s2;
	s6 =	simm.s32 $0x108;
	_ =	swait.ge @!p0 [sflag:s8], $0x0  }
0x24: {  	s3 =	sadd.s32 $0x88, s3;
	s6 =	simm.s32 @!p1 $0x1082;
	[sflag:s4] =	ssyncset.s32 $0xFFFFF086  }
0x25: {  	[simem:s6], [sflag:s4] =	dma.local [hbm:s3], $0xF7A  }
0x26: {  	[smem:$0x3F88] =	sst s1;
	(tag) =	ssettag s2;
	_ =	strace s9  }
0x27: {  	s1 =	sld [smem:$0x3F98]  }
0x28: {  	s2 =	sld [smem:$0x3F99]  }
0x29: {  	s4 =	sld [smem:$0x3F9B]  }
0x2a: {  	p0 =	seq.s32 s5, $0x0;
	s5 =	sld [smem:$0x3F9C]  }
0x2b: {  	s6 =	sld [smem:$0x3F9D]  }
0x2c: {  	s7 =	sld [smem:$0x3F9E]  }
0x2d: {  	s3 =	simm.s32 $0x108;
	s8 =	sld [smem:$0x3F9F]  }
0x2e: {  	s3 =	simm.s32 @!p0 $0x1082;
	s9 =	sld [smem:$0x3FA0]  }
0x2f: {  	lr =	sadd.s32 s0, s3;
	s0 =	sld [smem:$0x3F97]  }
0x30: {  	s3 =	sld [smem:$0x3F9A]  }
0x31: {  	[smem:$0x3FA3] =	sst s10  }
0x32: {  	s10 =	sld [smem:$0x3FA1];
	_ =	sdelay $0x3  }
0x33: {  	p0 =	seq.s32 s10, $0x1;
	s10 =	sld [smem:$0x3FA3];
	_ =	sdelay $0x3  }
0x34: {  	[smem:$0x3FA3] =	sst s10  }
0x35: {  	s10 =	sld [smem:$0x3FA2];
	_ =	sdelay $0x3  }
0x36: {  	p1 =	seq.s32 s10, $0x1;
	s10 =	sld [smem:$0x3FA3];
	_ =	sdelay $0x3  }
0x37: {  	[smem:$0x3FA3] =	sst s10  }
0x38: {  	s10 =	sld [smem:$0x3FA4]  }
0x39: {  	_ = 	snop;
	(pc) =	sbr.ind lr, $3  }
0x3a: {  	_ = 	snop  }
0x3b: {  	_ = 	snop  }
0x3c: {  	p2 =	seq.s32 s10, $0x1;
	s10 =	sld [smem:$0x3FA3]  }
0x3d: {  	_ =	shalt  }
0x3e: {  	_ =	shalt  }
0x3f: {  	_ =	shalt  }
0x40: {  	_ =	shalt  }
0x41: {  	_ =	shalt  }
0x42: {  	_ =	shalt  }
0x43: {  	_ =	shalt  }
0x44: {  	_ =	shalt  }
0x45: {  	_ =	shalt  }
0x46: {  	_ =	shalt  }
0x47: {  	_ =	shalt  }
0x48: {  	_ =	shalt  }
0x49: {  	_ =	shalt  }
0x4a: {  	_ =	shalt  }
0x4b: {  	_ =	shalt  }
0x4c: {  	_ =	shalt  }
0x4d: {  	_ =	shalt  }
0x4e: {  	_ =	shalt  }
0x4f: {  	_ =	shalt  }
0x50: {  	_ =	shalt  }
0x51: {  	_ =	shalt  }
0x52: {  	_ =	shalt  }
0x53: {  	_ =	shalt  }
0x54: {  	_ =	shalt  }
0x55: {  	_ =	shalt  }
0x56: {  	_ =	shalt  }
0x57: {  	_ =	shalt  }
0x58: {  	_ =	shalt  }
0x59: {  	_ =	shalt  }
0x5a: {  	_ =	shalt  }
0x5b: {  	_ =	shalt  }
0x5c: {  	_ =	shalt  }
0x5d: {  	_ =	shalt  }
0x5e: {  	_ =	shalt  }
0x5f: {  	_ =	shalt  }
0x60: {  	_ =	shalt  }
0x61: {  	_ =	shalt  }
0x62: {  	_ =	shalt  }
0x63: {  	_ =	shalt  }
0x64: {  	_ =	shalt  }
0x65: {  	_ =	shalt  }
0x66: {  	_ =	shalt  }
0x67: {  	_ =	shalt  }
0x68: {  	_ =	shalt  }
0x69: {  	_ =	shalt  }
0x6a: {  	_ =	shalt  }
0x6b: {  	_ =	shalt  }
0x6c: {  	_ =	shalt  }
0x6d: {  	_ =	shalt  }
0x6e: {  	_ =	shalt  }
0x6f: {  	_ =	shalt  }
0x70: {  	_ =	shalt  }
0x71: {  	_ =	shalt  }
0x72: {  	_ =	shalt  }
0x73: {  	_ =	shalt  }
0x74: {  	_ =	shalt  }
0x75: {  	_ =	shalt  }
0x76: {  	_ =	shalt  }
0x77: {  	_ =	shalt  }
0x78: {  	_ =	shalt  }
0x79: {  	_ =	shalt  }
0x7a: {  	_ =	shalt  }
0x7b: {  	_ =	shalt  }
0x7c: {  	_ =	shalt  }
0x7d: {  	_ =	shalt  }
0x7e: {  	_ =	shalt  }
0x7f: {  	_ =	shalt  }
0x80: {  	_ =	shalt  }
0x81: {  	_ =	shalt  }
0x82: {  	_ =	shalt  }
0x83: {  	_ =	shalt  }
0x84: {  	_ =	shalt  }
0x85: {  	_ =	shalt  }
0x86: {  	_ =	shalt  }
0x87: {  	_ =	shalt  }
.Lfunc_end0:
.L_simem_size_0:
called_computation_lowered:
.L_overlay_start_0:
0x88: {  	s2 =	sld [smem:$0x3FD9]  }
0x89: {  	s3 =	sld [smem:$0x3FFE];
	_ =	sdelay $0x1  }
0x8a: {  	s1 =	srdreg.scid  }
0x8b: {  	s0 =	sand.u32 $0x1, s1  }
0x8c: {  	s16 =	sshll.u32 s0, $0xA;
	s2 =	sadd.s32 s3, s2  }
0x8d: {  	s2 =	sadd.s32 s2, s16  }
0x8e: {  	[smem:$0x3FAF] =	sst s2  }
0x8f: {  	_ = 	snop  }
0x90: {  	(tm) =	ssettm $0x1  }
0x91: {  	s17 =	sld [smem:$0x3FFB];
	_ =	sdelay $0x3  }
0x92: {  	_ =	strace s17  }
0x93: {  	s2 =	sld [smem:$0x3FFC];
	_ =	sdelay $0x3  }
0x94: {  	_ =	strace s2  }
0x95: {  	s2 =	sld [smem:$0x3FFD];
	_ =	sdelay $0x3  }
0x96: {  	_ =	strace s2  }
0x97: {  	_ =	strace $0x8FFFFFFF  }
0x98: {  	s18 =	sld [smem:$0x3FDB];
	_ =	sdelay $0x1  }
0x99: {  	s19 =	simm.s32 $_scs_section_size  }
0x9a: {  	s4 =	simm.s32 $_size__tile_overlayer_lowered;
	s5 =	simm.s32 $_tile_overlayer_lowered  }
0x9b: {  	s22 =	simm.s32 $0x1BFF;
	s21 =	sshll.u32 s5, $0x1;
	s2 =	sadd.s32 s19, s18  }
0x9c: {  	s6 =	simm.s32 $0x0;
	s20 =	sshll.u32 s4, $0x1;
	s4 =	sadd.s32 s21, s2  }
0x9d: {  	[timem:s6], [sflag:s22] =	dma.local [hbm:s4], s20  }
0x9e: {  	_ =	swait.ge [sflag:s22], s20  }
0x9f: {  	s3 =	ssub.s32 $0x0, s20;
	[sflag:s22] =	ssyncset.done $0x0  }
0xa0: {  	[sflag:s22] =	ssyncadd.s32 s3;
	_ =	sdelay $0x1  }
0xa1: {  	s23 =	simm.s32 $0x1B8B  }
0xa2: {  	_ =	swait.ge [sflag:s23], $0x1  }
0xa3: {  	[sflag:s23] =	ssyncset.done $0x0  }
0xa4: {  	s25 =	simm.s32 $0x1B8E;
	s24 =	sld [smem:$0x3FFE];
	[sflag:s23] =	ssyncadd.s32 $0xFFFFFFFF  }
0xa5: {  	s26 =	simm.s32 $execute0_lowered;
	[smem:$0x3FD2] =	sst s25  }
0xa6: {  	s4 =	sshll.u32 s26, $0x1;
	_ =	strace $0x80000046;
	[dreg:$0x1] =	wrdreg $0xFFFFFFFF  }
0xa7: {  	s28 =	simm.s32 $_size_execute0_lowered;
	s2 =	sadd.s32 s2, s4;
	[dreg:$0x0] =	wrdreg $0x0  }
0xa8: {  	s4 =	sshll.u32 s28, $0x1;
	[dreg:$0x2] =	wrdreg s2  }
0xa9: {  	[dreg:$0x3] =	wrdreg s4  }
0xaa: {  	[dreg:$0x4] =	wrdreg $0xC0  }
0xab: {  	_ =	task [dreg:s6], $0x5FFFF  }
0xac: {  	[dreg:$0x1] =	wrdreg $0xFFFFFFFF  }
0xad: {  	[dreg:$0x0] =	wrdreg $0x60  }
0xae: {  	[dreg:$0x2] =	wrdreg s24  }
0xaf: {  	[dreg:$0x3] =	wrdreg $0x9  }
0xb0: {  	_ =	task.clear_ibuf [dreg:s6], $0x4FFFF;
	_ =	strace $0x90000046  }
0xb1: {  	s29 =	simm.s32 $0x9;
	_ =	strace $0x80000048  }
0xb2: {  	_ =	swait.ge [sflag:s29], $0x1  }
0xb3: {  	[sflag:s29] =	ssyncadd.s32 $0xFFFFFFFF  }
0xb4: {  	_ =	strace $0x90000048  }
0xb5: {  	_ =	sfence  }
0xb6: {  	s30 =	sld [smem:$0x0];
	_ =	sdelay $0x2  }
0xb7: {  	s31 =	sshll.u32 s1, $0xD;
	s1 =	sshrl.u32 s1, $0x2  }
0xb8: {  	s3 =	sand.u32 $0x4000, s31;
	s1 =	sadd.s32 s1, s30  }
0xb9: {  	s0 =	sor.u32 s3, s0;
	s1 =	sshll.u32 s1, $0x11  }
0xba: {  	s0 =	sor.u32 s1, s0  }
0xbb: {  	s0 =	sadd.s32 $0x8F2B, s0  }
0xbc: {  	[sflag:s0] =	ssyncadd.remote.s32 $0x1  }
0xbd: {  	_ =	sfence.sel $0xFFFF  }
0xbe: {  	[dreg:$0x0] =	wrdreg $0xFFFFFFFF;
	(pc) =	sbr.abs _section_cstart, $3  }
0xbf: {  	[dreg:$0x1] =	wrdreg $0xFFFFFFFF  }
0xc0: {  	_ =	task.clear_ibuf [dreg:s6], $0x2FFFF;
	_ =	strace $0x9FFFFFFF  }
0xc1: {  	(tm) =	ssettm $0x7FFFFFFF  }
tec
execute0_lowered:
.L_overlay_start_1:
0x0: {  	(tag) =	ssettag $0x1  }
0x1: {  	s0 =	rddreg [dreg:$0x0];
	s7 =	stileid.u32  }
0x2: {  	s1 =	srdreg.scid;
	s2 =	simm.s32 $0x0;
	s14 =	simm.s32 $0x7  }
0x3: {  	s15 =	simm.s32 $0x100;
	s16 =	simm.s32 $0xC8;
	s17 =	simm.s32 $0x200  }
0x4: {  	s18 =	simm.s32 $0x6600;
	s19 =	simm.s32 $0x2;
	s20 =	simm.s32 $0xCA00  }
0x5: {  	s29 =	simm.s32 $0x6;
	s30 =	simm.s32 $0x0;
	s1 =	sand.u32 $0x1, s1  }
0x6: {  	s3 =	sshll.u32 s7, $0x1;
	[smem:$0x7FF] =	sst s2;
	s8 =	smul.u32 $0x4E200, s7  }
0x7: {  	s5 =	sadd.s32 $0x18800, s0;
	s6 =	sadd.s32 $0x3FA00, s0;
	s12 =	smul.u32 $0x4E20, s7  }
0x8: {  	s7 =	sadd.s32 $0x66C00, s0;
	s4 =	sor.u32 s1, s3;
	s10 =	smul.u32 $0x27100, s1  }
0x9: {  	s3 =	sadd.s32 $0xEA00, s0;
	s11 =	ssub.s32 $0x2, s1;
	s1 =	smul.u32 $0x2710, s1  }
0xa: {  	s9 =	smul.u32 $0x2710, s4;
	s4 =	sadd.s32 $0x4C00, s0;
	s0 =	sadd.s32 s8, s0  }
0xb: {  	_ =	strace $0x80000047;
	s13 =	sshrl.u32 s11, $0x1;
	s0 =	sadd.s32 s10, s0  }
0xc: {  	s21 =	ssub.s32 s11, s13;
	s1 =	sadd.s32 s1, s12;
	s23 =	sadd.s32 $0xB5000, s0  }
0xd: {  	s9 =	sshrl.u32 s9, $0x3;
	s8 =	smax.u32 s21, $0x1;
	[dreg:$0x2] =	wrdreg s23  }
0xe: {  	s24 =	sadd.s32 $0xC8, s1;
	s0 =	sadd.s32 $0x597000, s0;
	[dreg:$0x6] =	wrdreg s8  }
0xf: {  	s31 =	sadd.s32 $0x190, s1;
	s21 =	simm.s32 $0xCB00;
	[dreg:$0x3] =	wrdreg s0  }
0x10: {  	s22 =	sadd.s32 s3, s9;
	s9 =	sadd.s32 s4, s9;
	[dreg:$0x9] =	wrdreg s31  }
0x11: {  	s25 =	sshrl.u32 s24, $0x3;
	s23 =	simm.s32 $0x13000;
	[dreg:$0x4] =	wrdreg s22  }
0x12: {  	s24 =	simm.s32 $0x1;
	[dreg:$0x5] =	wrdreg s9;
	s26 =	sadd.s32 s25, s4  }
0x13: {  	s28 =	sadd.s32 s25, s3;
	s22 =	simm.s32 $0xCC00;
	[dreg:$0x7] =	wrdreg s26  }
0x14: {  	s25 =	simm.s32 $0x5;
	[dreg:$0x8] =	wrdreg s28;
	s26 =	simm.s32 $0x4  }
.LBB2_1:
0x15: {  	s0 =	rddreg [dreg:$0x4]  }
0x16: {  	[tilespmem:s2], [sflag:$0x7] =	stream.linear.gather [hbm4b:s0+s2], $0xC8, $0x38;
	[tilespmem:$0x19400] =	vst v63  }
0x17: {  	_ =	swait.ge [sflag:s14], $0xC8  }
0x18: {  	[sflag:s14] =	ssyncset.done $0x0  }
0x19: {  	s13 =	rddreg [dreg:$0x5];
	[sflag:s14] =	ssyncadd.s32 $0xFFFFFF38  }
0x1a: {  	[tilespmem:s15], [sflag:$0x7] =	stream.linear.gather [hbm4b:s13+s2], $0xC8, $0x38;
	[tilespmem:$0x19400] =	vst v63  }
0x1b: {  	_ =	swait.ge [sflag:s14], $0xC8  }
0x1c: {  	[sflag:s14] =	ssyncset.done $0x0  }
0x1d: {  	[sflag:s14] =	ssyncadd.s32 $0xFFFFFF38  }
0x1e: {  	[tilespmem:s17], [sflag:$0x1] =	stream.indirect.gather [hbm4b:s5+s16], $0x80, s2, s16, $0xb8;
	[tilespmem:$0x19400] =	vst v63  }
0x1f: {  	_ = 	snop  }
0x20: {  	[tilespmem:s18], [sflag:$0x2] =	stream.indirect.gather [hbm4b:s6+s16], $0x80, s2, s16, $0xb8;
	[tilespmem:$0x19400] =	vst v63  }
0x21: {  	_ =	swait.ge [sflag:s19], $0x6400  }
0x22: {  	p0 =	por $0x1, $0x1;
	[sflag:s19] =	ssyncset.done $0x0  }
0x23: {  	s0 =	simm.s32 @!p0 $0x6;
	[sflag:s19] =	ssyncadd.s32 $0xFFFF9C00  }
0x24: {  	[tilespmem:s18], [sflag:$0x2] =	stream.indirect.gather.add.f32 [hbm:s7], $0x80, s15, s16, $0xb8;
	[tilespmem:$0x19400] =	vst v63  }
0x25: {  	_ =	swait.ge @!p0 [sflag:s0], $0x6400  }
0x26: {  	[sflag:s0] =	ssyncset.done @!p0 $0x0  }
0x27: {  	[sflag:s0] =	ssyncadd.s32 @!p0 $0xFFFF9C00  }
0x28: {  	_ =	swait.ge @!p0 [sflag:s0], $0x6400  }
0x29: {  	[sflag:s0] =	ssyncset.done @!p0 $0x0  }
0x2a: {  	s13 =	rddreg [dreg:$0x8];
	[sflag:s0] =	ssyncadd.s32 @!p0 $0xFFFF9C00  }
0x2b: {  	[tilespmem:s20], [sflag:$0x7] =	stream.linear.gather [hbm4b:s13+s2], $0xC8, $0x38;
	[tilespmem:$0x19400] =	vst v63  }
0x2c: {  	_ =	swait.ge [sflag:s14], $0xC8  }
0x2d: {  	[sflag:s14] =	ssyncset.done $0x0  }
0x2e: {  	s8 =	rddreg [dreg:$0x7];
	[sflag:s14] =	ssyncadd.s32 $0xFFFFFF38  }
0x2f: {  	[tilespmem:s21], [sflag:$0x7] =	stream.linear.gather [hbm4b:s8+s2], $0xC8, $0x38;
	[tilespmem:$0x19400] =	vst v63  }
0x30: {  	_ =	swait.ge [sflag:s14], $0xC8  }
0x31: {  	[sflag:s14] =	ssyncset.done $0x0  }
0x32: {  	[sflag:s14] =	ssyncadd.s32 $0xFFFFFF38  }
0x33: {  	[tilespmem:s22], [sflag:$0x4] =	stream.indirect.gather [hbm4b:s5+s16], $0x80, s20, s16, $0xb8;
	[tilespmem:$0x19400] =	vst v63  }
0x34: {  	_ = 	snop  }
0x35: {  	[tilespmem:s23], [sflag:$0x5] =	stream.indirect.gather [hbm4b:s6+s16], $0x80, s20, s16, $0xb8;
	[tilespmem:$0x19400] =	vst v63  }
0x36: {  	_ =	swait.ge [sflag:s24], $0x6400  }
0x37: {  	s28 =	rddreg [dreg:$0x2];
	[sflag:s24] =	ssyncset.done $0x0  }
0x38: {  	[sflag:s24] =	ssyncadd.s32 $0xFFFF9C00;
	s0 =	sadd.s32 $0x0, s28  }
0x39: {  	[hbm4b:s0+s2] =	stream.linear.scatter [tilespmem:s17], [sflag:$0x3], $0x6400, $0x38;
	[tilespmem:$0x19400] =	vst v63  }
0x3a: {  	_ =	swait.ge [sflag:s19], $0x6400  }
0x3b: {  	s1 =	rddreg [dreg:$0x3];
	[sflag:s19] =	ssyncset.done $0x0  }
0x3c: {  	[sflag:s19] =	ssyncadd.s32 $0xFFFF9C00;
	s1 =	sadd.s32 $0x0, s1  }
0x3d: {  	[hbm4b:s1+s2] =	stream.linear.scatter [tilespmem:s18], [sflag:$0x3], $0x6400, $0x38;
	[tilespmem:$0x19400] =	vst v63  }
0x3e: {  	_ =	swait.ge [sflag:s25], $0x6400  }
0x3f: {  	p0 =	por $0x0, $0x0;
	[sflag:s25] =	ssyncset.done $0x0  }
0x40: {  	s9 =	simm.s32 @!p0 $0x3;
	[sflag:s25] =	ssyncadd.s32 $0xFFFF9C00  }
0x41: {  	[tilespmem:s23], [sflag:$0x5] =	stream.indirect.gather.add.f32 [hbm:s7], $0x80, s21, s16, $0xb8;
	[tilespmem:$0x19400] =	vst v63  }
0x42: {  	_ =	swait.ge @!p0 [sflag:s9], $0x6400  }
0x43: {  	[sflag:s9] =	ssyncset.done @!p0 $0x0  }
0x44: {  	[sflag:s9] =	ssyncadd.s32 @!p0 $0xFFFF9C00  }
0x45: {  	s28 =	rddreg [dreg:$0x9];
	_ =	swait.ge @!p0 [sflag:s9], $0x6400  }
0x46: {  	s12 =	simm.s32 @!p0 $0x0;
	s10 =	sshrl.u32 @!p0 s28, $0x3;
	[sflag:s9] =	ssyncset.done @!p0 $0x0  }
0x47: {  	s11 =	sadd.s32 @!p0 s3, s10;
	[sflag:s9] =	ssyncadd.s32 @!p0 $0xFFFF9C00;
	s9 =	simm.s32 @!p0 $0x7  }
0x48: {  	[tilespmem:s12], [sflag:$0x7] =	stream.linear.gather @!p0 [hbm4b:s11+s12], $0xC8, $0x38;
	[tilespmem:$0x19400] =	vst v63  }
0x49: {  	_ =	swait.ge @!p0 [sflag:s9], $0xC8  }
0x4a: {  	[sflag:s9] =	ssyncset.done @!p0 $0x0  }
0x4b: {  	s10 =	sadd.s32 @!p0 s4, s10;
	s11 =	simm.s32 @!p0 $0x100;
	[sflag:s9] =	ssyncadd.s32 @!p0 $0xFFFFFF38  }
0x4c: {  	[tilespmem:s11], [sflag:$0x7] =	stream.linear.gather @!p0 [hbm4b:s10+s12], $0xC8, $0x38;
	[tilespmem:$0x19400] =	vst v63  }
0x4d: {  	_ =	swait.ge @!p0 [sflag:s9], $0xC8  }
0x4e: {  	[sflag:s9] =	ssyncset.done @!p0 $0x0  }
0x4f: {  	s10 =	simm.s32 @!p0 $0xC8;
	[sflag:s9] =	ssyncadd.s32 @!p0 $0xFFFFFF38;
	s9 =	simm.s32 @!p0 $0x200  }
0x50: {  	[tilespmem:s9], [sflag:$0x1] =	stream.indirect.gather @!p0 [hbm4b:s5+s10], $0x80, s12, s10, $0xb8;
	[tilespmem:$0x19400] =	vst v63  }
0x51: {  	s9 =	simm.s32 @!p0 $0x6600  }
0x52: {  	[tilespmem:s9], [sflag:$0x2] =	stream.indirect.gather @!p0 [hbm4b:s6+s10], $0x80, s12, s10, $0xb8;
	[tilespmem:$0x19400] =	vst v63  }
0x53: {  	_ =	swait.ge [sflag:s26], $0x6400  }
0x54: {  	[sflag:s26] =	ssyncset.done $0x0  }
0x55: {  	s31 =	simm.s32 $0x1900;
	s0 =	sadd.s32 $0xC80, s0;
	[sflag:s26] =	ssyncadd.s32 $0xFFFF9C00  }
0x56: {  	[hbm4b:s0+s2] =	stream.linear.scatter [tilespmem:s22], [sflag:$0x6], $0x6400, $0x38;
	[tilespmem:$0x19400] =	vst v63  }
0x57: {  	s11 =	smov.u32 s8;
	s10 =	sadd.s32 $0xC80, s1;
	_ =	swait.ge [sflag:s25], $0x6400  }
0x58: {  	s1 =	sadd.s32 $0x32, s13;
	s0 =	sadd.s32 $0x190, s28;
	[sflag:s25] =	ssyncset.done $0x0  }
.LBB2_2:
0x59: {  	[sflag:s25] =	ssyncadd.s32 $0xFFFF9C00  }
0x5a: {  	[hbm4b:s10+s2] =	stream.linear.scatter [tilespmem:s23], [sflag:$0x6], $0x6400, $0x38;
	[tilespmem:$0x19400] =	vst v63  }
0x5b: {  	s9 =	smov.u32 s31;
	_ =	swait.ge [sflag:s19], $0x6400  }
0x5c: {  	p1 =	seq.s32 s9, $0x0;
	[sflag:s19] =	ssyncset.done $0x0  }
0x5d: {  	s10 =	simm.s32 @!p1 $0x6;
	[sflag:s19] =	ssyncadd.s32 $0xFFFF9C00  }
0x5e: {  	[tilespmem:s18], [sflag:$0x2] =	stream.indirect.gather.add.f32 [hbm:s7], $0x80, s15, s16, $0xb8;
	[tilespmem:$0x19400] =	vst v63  }
0x5f: {  	_ =	swait.ge @!p1 [sflag:s10], $0x6400  }
0x60: {  	[sflag:s10] =	ssyncset.done @!p1 $0x0  }
0x61: {  	[sflag:s10] =	ssyncadd.s32 @!p1 $0xFFFF9C00  }
0x62: {  	_ =	swait.ge @!p1 [sflag:s10], $0x6400  }
0x63: {  	[sflag:s10] =	ssyncset.done @!p1 $0x0  }
0x64: {  	[sflag:s10] =	ssyncadd.s32 @!p1 $0xFFFF9C00  }
0x65: {  	[tilespmem:s20], [sflag:$0x7] =	stream.linear.gather [hbm4b:s1+s2], $0xC8, $0x38;
	[tilespmem:$0x19400] =	vst v63  }
0x66: {  	_ =	swait.ge [sflag:s14], $0xC8  }
0x67: {  	[sflag:s14] =	ssyncset.done $0x0  }
0x68: {  	s11 =	sadd.s32 $0x32, s11;
	[sflag:s14] =	ssyncadd.s32 $0xFFFFFF38  }
0x69: {  	[tilespmem:s21], [sflag:$0x7] =	stream.linear.gather [hbm4b:s11+s2], $0xC8, $0x38;
	[tilespmem:$0x19400] =	vst v63  }
0x6a: {  	_ =	swait.ge [sflag:s14], $0xC8  }
0x6b: {  	[sflag:s14] =	ssyncset.done $0x0  }
0x6c: {  	[sflag:s14] =	ssyncadd.s32 $0xFFFFFF38  }
0x6d: {  	[tilespmem:s22], [sflag:$0x4] =	stream.indirect.gather [hbm4b:s5+s16], $0x80, s20, s16, $0xb8;
	[tilespmem:$0x19400] =	vst v63  }
0x6e: {  	_ = 	snop  }
0x6f: {  	[tilespmem:s23], [sflag:$0x5] =	stream.indirect.gather [hbm4b:s6+s16], $0x80, s20, s16, $0xb8;
	[tilespmem:$0x19400] =	vst v63  }
0x70: {  	_ =	swait.ge [sflag:s24], $0x6400  }
0x71: {  	[sflag:s24] =	ssyncset.done $0x0;
	s13 =	rddreg [dreg:$0x2]  }
0x72: {  	[sflag:s24] =	ssyncadd.s32 $0xFFFF9C00;
	s10 =	sadd.s32 s9, s13  }
0x73: {  	[hbm4b:s10+s2] =	stream.linear.scatter [tilespmem:s17], [sflag:$0x3], $0x6400, $0x38;
	[tilespmem:$0x19400] =	vst v63  }
0x74: {  	_ =	swait.ge [sflag:s19], $0x6400  }
0x75: {  	[sflag:s19] =	ssyncset.done $0x0;
	s12 =	rddreg [dreg:$0x3]  }
0x76: {  	[sflag:s19] =	ssyncadd.s32 $0xFFFF9C00;
	s12 =	sadd.s32 s9, s12  }
0x77: {  	[hbm4b:s12+s2] =	stream.linear.scatter [tilespmem:s18], [sflag:$0x3], $0x6400, $0x38;
	[tilespmem:$0x19400] =	vst v63  }
0x78: {  	_ =	swait.ge [sflag:s25], $0x6400  }
0x79: {  	p1 =	seq.s32 s9, $0x25800;
	[sflag:s25] =	ssyncset.done $0x0  }
0x7a: {  	s9 =	simm.s32 @!p1 $0x3;
	[sflag:s25] =	ssyncadd.s32 $0xFFFF9C00  }
0x7b: {  	[tilespmem:s23], [sflag:$0x5] =	stream.indirect.gather.add.f32 [hbm:s7], $0x80, s21, s16, $0xb8;
	[tilespmem:$0x19400] =	vst v63  }
0x7c: {  	_ =	swait.ge @!p1 [sflag:s9], $0x6400  }
0x7d: {  	[sflag:s9] =	ssyncset.done @!p1 $0x0  }
0x7e: {  	[sflag:s9] =	ssyncadd.s32 @!p1 $0xFFFF9C00  }
0x7f: {  	_ =	swait.ge @!p1 [sflag:s9], $0x6400  }
0x80: {  	s28 =	simm.s32 @!p1 $0x0;
	s13 =	sshrl.u32 @!p1 s0, $0x3;
	[sflag:s9] =	ssyncset.done @!p1 $0x0  }
0x81: {  	s8 =	sadd.s32 @!p1 s3, s13;
	[sflag:s9] =	ssyncadd.s32 @!p1 $0xFFFF9C00;
	s9 =	simm.s32 @!p1 $0x7  }
0x82: {  	[tilespmem:s28], [sflag:$0x7] =	stream.linear.gather @!p1 [hbm4b:s8+s28], $0xC8, $0x38;
	[tilespmem:$0x19400] =	vst v63  }
0x83: {  	_ =	swait.ge @!p1 [sflag:s9], $0xC8  }
0x84: {  	[sflag:s9] =	ssyncset.done @!p1 $0x0  }
0x85: {  	s13 =	sadd.s32 @!p1 s4, s13;
	s8 =	simm.s32 @!p1 $0x100;
	[sflag:s9] =	ssyncadd.s32 @!p1 $0xFFFFFF38  }
0x86: {  	[tilespmem:s8], [sflag:$0x7] =	stream.linear.gather @!p1 [hbm4b:s13+s28], $0xC8, $0x38;
	[tilespmem:$0x19400] =	vst v63  }
0x87: {  	_ =	swait.ge @!p1 [sflag:s9], $0xC8  }
0x88: {  	[sflag:s9] =	ssyncset.done @!p1 $0x0  }
0x89: {  	s8 =	simm.s32 @!p1 $0xC8;
	s13 =	simm.s32 @!p1 $0x200;
	[sflag:s9] =	ssyncadd.s32 @!p1 $0xFFFFFF38  }
0x8a: {  	[tilespmem:s13], [sflag:$0x1] =	stream.indirect.gather @!p1 [hbm4b:s5+s8], $0x80, s28, s8, $0xb8;
	[tilespmem:$0x19400] =	vst v63  }
0x8b: {  	s31 =	sadd.s32 $0x1900, s31;
	s9 =	simm.s32 @!p1 $0x6600  }
0x8c: {  	[tilespmem:s9], [sflag:$0x2] =	stream.indirect.gather @!p1 [hbm4b:s6+s8], $0x80, s28, s8, $0xb8;
	[tilespmem:$0x19400] =	vst v63  }
0x8d: {  	p0 =	sne.s32 s31, $0x27100;
	_ =	swait.ge [sflag:s26], $0x6400  }
.Ltmp0:
0x8e: {  	[sflag:s26] =	ssyncset.done $0x0;
	(pc) =	sbr.rel @p0 .LBB2_2-.Ltmp0, $4  }
0x8f: {  	s28 =	sadd.s32 $0xC80, s10;
	[sflag:s26] =	ssyncadd.s32 $0xFFFF9C00  }
0x90: {  	[hbm4b:s28+s2] =	stream.linear.scatter [tilespmem:s22], [sflag:$0x6], $0x6400, $0x38;
	[tilespmem:$0x19400] =	vst v63  }
0x91: {  	s1 =	sadd.s32 $0x32, s1;
	_ =	swait.ge [sflag:s25], $0x6400  }
0x92: {  	s0 =	sadd.s32 $0x190, s0;
	s10 =	sadd.s32 $0xC80, s12;
	[sflag:s25] =	ssyncset.done $0x0  }
0x93: {  	[sflag:s25] =	ssyncadd.s32 $0xFFFF9C00;
	s0 =	simm.s32 $0x3  }
0x94: {  	[hbm4b:s10+s2] =	stream.linear.scatter [tilespmem:s23], [sflag:$0x6], $0x6400, $0x38;
	[tilespmem:$0x19400] =	vst v63  }
0x95: {  	_ =	swait.ge [sflag:s0], $0x6400  }
0x96: {  	[sflag:s0] =	ssyncset.done $0x0  }
0x97: {  	[sflag:s0] =	ssyncadd.s32 $0xFFFF9C00  }
0x98: {  	_ =	swait.ge [sflag:s0], $0x6400  }
0x99: {  	[sflag:s0] =	ssyncset.done $0x0  }
0x9a: {  	[sflag:s0] =	ssyncadd.s32 $0xFFFF9C00  }
0x9b: {  	_ =	swait.ge [sflag:s29], $0x6400  }
0x9c: {  	[sflag:s29] =	ssyncset.done $0x0  }
0x9d: {  	[sflag:s29] =	ssyncadd.s32 $0xFFFF9C00  }
0x9e: {  	_ =	swait.ge [sflag:s29], $0x6400  }
0x9f: {  	s30 =	sadd.s32 $0x1, s30;
	s31 =	rddreg [dreg:$0x6]  }
0xa0: {  	p0 =	sne.s32 s30, s31  }
.Ltmp1:
0xa1: {  	_ = 	snop;
	(pc) =	sbr.rel @p0 .LBB2_1-.Ltmp1, $3  }
0xa2: {  	_ =	sdelay $0x1  }
0xa3: {  	[sflag:s29] =	ssyncset.done $0x0  }
0xa4: {  	[sflag:s29] =	ssyncadd.s32 $0xFFFF9C00  }
0xa5: {  	_ =	sfence.sel $0x180000  }
0xa6: {  	[bflag:$0x0] =	sbarrier.arrive $0xFFFF  }
0xa7: {  	_ =	strace $0x90000047  }
0xa8: {  	s0 =	stileid.u32;
	[bflag:$0x2] =	sbarrier.arrive $0xFFFF  }
0xa9: {  	p0 =	sne.s32 s0, $0x0;
	s0 =	rddreg [dreg:$0x1]  }
0xaa: {  	s0 =	sadd.s32 @!p0 $0x100000, s0  }
0xab: {  	[sflag:s0] =	ssyncadd.tile.s32 @!p0 $0x1;
	_ =	shalt  }
.Lfunc_end2:
_tile_overlayer_lowered:
.L_overlay_start_2:
0xac: {  	(tag) =	ssettag $0x2  }
0xad: {  	s0 =	rddreg [dreg:$0x0];
	s2 =	stileid.u32  }
0xae: {  	s1 =	rddreg [dreg:$0x1];
	p0 =	sne.s32 s2, $0x0  }
0xaf: {  	s3 =	rddreg [dreg:$0x2];
	[bflag:$0x3] =	sbarrier.arrive $0xFFFF;
	s2 =	simm.s32 @!p0 $0x1C07  }
0xb0: {  	[timem:s3], [sflag:s2] =	dma.local @!p0 [hbm:s0], s1  }
0xb1: {  	s0 =	simm.s32 @!p0 $0x7  }
0xb2: {  	_ =	swait.ge @!p0 [sflag:s0], s1  }
0xb3: {  	s1 =	ssub.s32 @!p0 $0x0, s1;
	[sflag:s0] =	ssyncset.done @!p0 $0x0  }
0xb4: {  	[sflag:s0] =	ssyncadd.s32 @!p0 s1  }
0xb5: {  	[bflag:$0x3] =	sbarrier.arrive $0xFFFF  }
0xb6: {  	_ =	shalt  }

</sc_bundles>
